<compile_context>
chip_gen: v7x
topology: tpu7x:2x2x1
jax: 0.10.2.dev20260603
libtpu: 0.0.44.dev20260713+nightly
codegen_flags: <defaults>
</compile_context>

<pallas_src>
import functools

import jax
import jax.numpy as jnp
from jax import lax
from jax.experimental import pallas as pl
from jax.experimental.pallas import tpu as pltpu
from jax.experimental.pallas import tpu_sc as plsc

ROWS = 128
COLS = 32768
L = 16
NW = 32
ROWS_PER_W = ROWS // NW
CHUNKS = COLS // L
U = 8
OUTER = CHUNKS // U


def _argmin_body(x_hbm, out_hbm, row_v, res_v, sem0, sem1):
    c = lax.axis_index("c")
    s = lax.axis_index("s")
    wid = s * 2 + c
    row0 = wid * ROWS_PER_W

    lane = lax.iota(jnp.int32, L)
    sems = (sem0, sem1)

    def start(j):
        pltpu.async_copy(x_hbm.at[row0 + j], row_v.at[j % 2], sems[j % 2])

    start(0)

    for j in range(ROWS_PER_W):
        buf = j % 2
        pltpu.make_async_copy(x_hbm.at[row0 + j], row_v.at[buf], sems[buf]).wait()
        if j + 1 < ROWS_PER_W:
            start(j + 1)

        mvs0 = (jnp.full((L,), jnp.inf, jnp.float32),) * U
        mts0 = (jnp.zeros((L,), jnp.int32),) * U

        @plsc.parallel_loop(0, OUTER, unroll=2, carry=(mvs0, mts0))
        def body(t, carry):
            mvs, mts = carry
            tb = jnp.full((L,), t, jnp.int32)
            new_mvs = []
            new_mts = []
            for k in range(U):
                v = row_v[buf, pl.ds(t * (U * L) + k * L, L)]
                pred = v < mvs[k]
                new_mvs.append(jnp.minimum(mvs[k], v))
                new_mts.append(jnp.where(pred, tb, mts[k]))
            return tuple(new_mvs), tuple(new_mts)

        mvs, mts = body

        mv = mvs[0]
        mi = mts[0] * (U * L) + lane
        for k in range(1, U):
            v2 = mvs[k]
            i2 = mts[k] * (U * L) + (k * L) + lane
            pred = (v2 < mv) | ((v2 == mv) & (i2 < mi))
            mv = jnp.where(pred, v2, mv)
            mi = jnp.where(pred, i2, mi)

        mi_s, mv_s = lax.sort((mi, mv), dimension=0, num_keys=1)
        mv_s2, mi_s2 = lax.sort((mv_s, mi_s), dimension=0, num_keys=1)
        res_v[j, :] = mi_s2

    pltpu.sync_copy(res_v, out_hbm.at[wid])


@functools.partial(jax.jit)
def kernel(x):
    mesh = plsc.VectorSubcoreMesh(core_axis_name="c", subcore_axis_name="s")
    out = pl.kernel(
        _argmin_body,
        out_type=jax.ShapeDtypeStruct((NW, ROWS_PER_W, L), jnp.int32),
        mesh=mesh,
        compiler_params=pltpu.CompilerParams(needs_layout_passes=False, skip_device_barrier=True),
        scratch_types=[
            pltpu.VMEM((2, COLS), jnp.float32),
            pltpu.VMEM((ROWS_PER_W, L), jnp.int32),
            pltpu.SemaphoreType.DMA,
            pltpu.SemaphoreType.DMA,
        ],
    )(x)
    return out[:, :, 0].reshape(ROWS)

# --- scband reference (transcript-rebuilt; emitter-appended) ---
"""Pipeline reference for scband-argmin-model-64768106823687 (READ-ONLY COPY).

The authoritative reference and input builder live on the scoring server;
editing this copy changes nothing except your own understanding.
"""

import jax, jax.numpy as jnp
import numpy as np


def setup_inputs(seed: int = 0) -> dict:
    key = jax.random.key(seed)
    x = jax.random.normal(key, (128, 32768), dtype=jnp.float32)
    return {"x": x}


def reference(x):
    # torch.argmin(x, dim=-1, keepdim=False)
    return jnp.argmin(x, axis=-1)

if __name__ == "__main__":
    import jax
    _d = setup_inputs()
    print(jax.jit(kernel)(*tuple(_d.values())))

</pallas_src>

<mosaic_0001>
#map = affine_map<(d0, d1) -> (0, 0)>
#map1 = affine_map<(d0, d1) -> (0, 0, 0)>
module attributes {stable_mosaic.version = 14 : i64} {
  func.func @_argmin_body(%arg0: i32, %arg1: i32, %arg2: memref<128x32768xf32, #tpu.memory_space<hbm>>, %arg3: memref<32x4x16xi32, #tpu.memory_space<hbm>>, %arg4: memref<2x32768xf32, #tpu.memory_space<vmem>>, %arg5: memref<4x16xi32, #tpu.memory_space<vmem>>, %arg6: memref<!tpu.dma_semaphore, #tpu.memory_space<semaphore_mem>>, %arg7: memref<!tpu.dma_semaphore, #tpu.memory_space<semaphore_mem>>) attributes {dimension_semantics = [#tpu.dimension_semantics<core_parallel>, #tpu.dimension_semantics<subcore_parallel>], iteration_bounds = array<i64: 2, 16>, scalar_prefetch = 0 : i64, scratch_operands = 4 : i64, tpu.core_type = #tpu.core_type<sc_vector_subcore>, window_params = [{transform_indices = #map}, {transform_indices = #map1}]} {
    %mul3A = arith.constant 2 : i32
    %mul3A_0 = arith.muli %arg1, %mul3A : i32
    %add3A = arith.addi %mul3A_0, %arg0 : i32
    %mul3A_1 = arith.constant 4 : i32
    %mul3A_2 = arith.muli %add3A, %mul3A_1 : i32
    %iota3A = tpu.iota {dimensions = array<i32: 0>} : vector<16xi32>
    %add3A_3 = arith.constant 0 : i32
    %add3A_4 = arith.addi %mul3A_2, %add3A_3 : i32
    %dma_start3A = arith.constant 0 : i32
    %dma_start3A_5 = arith.constant 0 : i32
    %dma_start3A_6 = tpu.memref_slice %arg4[%dma_start3A, %dma_start3A_5] : memref<2x32768xf32, #tpu.memory_space<vmem>> -> memref<1x32768xf32, #tpu.memory_space<vmem>>
    %dma_start3A_7 = tpu.memref_squeeze %dma_start3A_6 : memref<1x32768xf32, #tpu.memory_space<vmem>> -> memref<32768xf32, #tpu.memory_space<vmem>>
    %dma_start3A_8 = arith.constant 0 : i32
    %dma_start3A_9 = tpu.memref_slice %arg2[%add3A_4, %dma_start3A_8] : memref<128x32768xf32, #tpu.memory_space<hbm>> -> memref<1x32768xf32, #tpu.memory_space<hbm>>
    %dma_start3A_10 = tpu.memref_squeeze %dma_start3A_9 : memref<1x32768xf32, #tpu.memory_space<hbm>> -> memref<32768xf32, #tpu.memory_space<hbm>>
    %dma_start3A_11 = arith.constant 0 : i32
    %dma_start3A_12 = tpu.memref_slice %arg4[%dma_start3A, %dma_start3A_11] : memref<2x32768xf32, #tpu.memory_space<vmem>> -> memref<1x32768xf32, #tpu.memory_space<vmem>>
    %dma_start3A_13 = tpu.memref_squeeze %dma_start3A_12 : memref<1x32768xf32, #tpu.memory_space<vmem>> -> memref<32768xf32, #tpu.memory_space<vmem>>
    %dma_start3A_14 = arith.constant 0 : i32
    %dma_start3A_15 = tpu.memref_slice %arg2[%add3A_4, %dma_start3A_14] : memref<128x32768xf32, #tpu.memory_space<hbm>> -> memref<1x32768xf32, #tpu.memory_space<hbm>>
    %dma_start3A_16 = tpu.memref_squeeze %dma_start3A_15 : memref<1x32768xf32, #tpu.memory_space<hbm>> -> memref<32768xf32, #tpu.memory_space<hbm>>
    tpu.enqueue_dma source(%dma_start3A_16 : memref<32768xf32, #tpu.memory_space<hbm>>) target(%dma_start3A_13 : memref<32768xf32, #tpu.memory_space<vmem>>) target_semaphore(%arg6 : memref<!tpu.dma_semaphore, #tpu.memory_space<semaphore_mem>>)
    %add3A_17 = arith.constant 0 : i32
    %add3A_18 = arith.addi %mul3A_2, %add3A_17 : i32
    %dma_wait3A = arith.constant 0 : i32
    %dma_wait3A_19 = arith.constant 0 : i32
    %dma_wait3A_20 = tpu.memref_slice %arg4[%dma_wait3A, %dma_wait3A_19] : memref<2x32768xf32, #tpu.memory_space<vmem>> -> memref<1x32768xf32, #tpu.memory_space<vmem>>
    %dma_wait3A_21 = tpu.memref_squeeze %dma_wait3A_20 : memref<1x32768xf32, #tpu.memory_space<vmem>> -> memref<32768xf32, #tpu.memory_space<vmem>>
    %dma_wait3A_22 = arith.constant 0 : i32
    %dma_wait3A_23 = tpu.memref_slice %arg2[%add3A_18, %dma_wait3A_22] : memref<128x32768xf32, #tpu.memory_space<hbm>> -> memref<1x32768xf32, #tpu.memory_space<hbm>>
    %dma_wait3A_24 = tpu.memref_squeeze %dma_wait3A_23 : memref<1x32768xf32, #tpu.memory_space<hbm>> -> memref<32768xf32, #tpu.memory_space<hbm>>
    %dma_wait3A_25 = arith.constant 0 : i32
    %dma_wait3A_26 = tpu.memref_slice %arg4[%dma_wait3A, %dma_wait3A_25] : memref<2x32768xf32, #tpu.memory_space<vmem>> -> memref<1x32768xf32, #tpu.memory_space<vmem>>
    %dma_wait3A_27 = tpu.memref_squeeze %dma_wait3A_26 : memref<1x32768xf32, #tpu.memory_space<vmem>> -> memref<32768xf32, #tpu.memory_space<vmem>>
    %dma_wait3A_28 = arith.constant 0 : i32
    %dma_wait3A_29 = tpu.memref_slice %arg2[%add3A_18, %dma_wait3A_28] : memref<128x32768xf32, #tpu.memory_space<hbm>> -> memref<1x32768xf32, #tpu.memory_space<hbm>>
    %dma_wait3A_30 = tpu.memref_squeeze %dma_wait3A_29 : memref<1x32768xf32, #tpu.memory_space<hbm>> -> memref<32768xf32, #tpu.memory_space<hbm>>
    tpu.wait_dma2 semaphore(%arg6 : memref<!tpu.dma_semaphore, #tpu.memory_space<semaphore_mem>>) src(%dma_wait3A_30 : memref<32768xf32, #tpu.memory_space<hbm>>) dst(%dma_wait3A_27 : memref<32768xf32, #tpu.memory_space<vmem>>)
    %add3A_31 = arith.constant 1 : i32
    %add3A_32 = arith.addi %mul3A_2, %add3A_31 : i32
    %dma_start3A_33 = arith.constant 1 : i32
    %dma_start3A_34 = arith.constant 0 : i32
    %dma_start3A_35 = tpu.memref_slice %arg4[%dma_start3A_33, %dma_start3A_34] : memref<2x32768xf32, #tpu.memory_space<vmem>> -> memref<1x32768xf32, #tpu.memory_space<vmem>>
    %dma_start3A_36 = tpu.memref_squeeze %dma_start3A_35 : memref<1x32768xf32, #tpu.memory_space<vmem>> -> memref<32768xf32, #tpu.memory_space<vmem>>
    %dma_start3A_37 = arith.constant 0 : i32
    %dma_start3A_38 = tpu.memref_slice %arg2[%add3A_32, %dma_start3A_37] : memref<128x32768xf32, #tpu.memory_space<hbm>> -> memref<1x32768xf32, #tpu.memory_space<hbm>>
    %dma_start3A_39 = tpu.memref_squeeze %dma_start3A_38 : memref<1x32768xf32, #tpu.memory_space<hbm>> -> memref<32768xf32, #tpu.memory_space<hbm>>
    %dma_start3A_40 = arith.constant 0 : i32
    %dma_start3A_41 = tpu.memref_slice %arg4[%dma_start3A_33, %dma_start3A_40] : memref<2x32768xf32, #tpu.memory_space<vmem>> -> memref<1x32768xf32, #tpu.memory_space<vmem>>
    %dma_start3A_42 = tpu.memref_squeeze %dma_start3A_41 : memref<1x32768xf32, #tpu.memory_space<vmem>> -> memref<32768xf32, #tpu.memory_space<vmem>>
    %dma_start3A_43 = arith.constant 0 : i32
    %dma_start3A_44 = tpu.memref_slice %arg2[%add3A_32, %dma_start3A_43] : memref<128x32768xf32, #tpu.memory_space<hbm>> -> memref<1x32768xf32, #tpu.memory_space<hbm>>
    %dma_start3A_45 = tpu.memref_squeeze %dma_start3A_44 : memref<1x32768xf32, #tpu.memory_space<hbm>> -> memref<32768xf32, #tpu.memory_space<hbm>>
    tpu.enqueue_dma source(%dma_start3A_45 : memref<32768xf32, #tpu.memory_space<hbm>>) target(%dma_start3A_42 : memref<32768xf32, #tpu.memory_space<vmem>>) target_semaphore(%arg7 : memref<!tpu.dma_semaphore, #tpu.memory_space<semaphore_mem>>)
    %broadcast_in_dim3A = arith.constant 0x7F800000 : f32
    %broadcast_in_dim3A_46 = vector.broadcast %broadcast_in_dim3A : f32 to vector<16xf32>
    %broadcast_in_dim3A_47 = arith.constant 0 : i32
    %broadcast_in_dim3A_48 = vector.broadcast %broadcast_in_dim3A_47 : i32 to vector<16xi32>
    %parallel_loop3A = arith.constant 0 : i32
    %parallel_loop3A_49 = arith.constant 256 : i32
    %parallel_loop3A_50 = arith.constant 1 : i32
    %parallel_loop3A_51:16 = scf.for %parallel_loop3A_600 = %parallel_loop3A to %parallel_loop3A_49 step %parallel_loop3A_50 iter_args(%parallel_loop3A_601 = %broadcast_in_dim3A_46, %parallel_loop3A_602 = %broadcast_in_dim3A_46, %parallel_loop3A_603 = %broadcast_in_dim3A_46, %parallel_loop3A_604 = %broadcast_in_dim3A_46, %parallel_loop3A_605 = %broadcast_in_dim3A_46, %parallel_loop3A_606 = %broadcast_in_dim3A_46, %parallel_loop3A_607 = %broadcast_in_dim3A_46, %parallel_loop3A_608 = %broadcast_in_dim3A_46, %parallel_loop3A_609 = %broadcast_in_dim3A_48, %parallel_loop3A_610 = %broadcast_in_dim3A_48, %parallel_loop3A_611 = %broadcast_in_dim3A_48, %parallel_loop3A_612 = %broadcast_in_dim3A_48, %parallel_loop3A_613 = %broadcast_in_dim3A_48, %parallel_loop3A_614 = %broadcast_in_dim3A_48, %parallel_loop3A_615 = %broadcast_in_dim3A_48, %parallel_loop3A_616 = %broadcast_in_dim3A_48) -> (vector<16xf32>, vector<16xf32>, vector<16xf32>, vector<16xf32>, vector<16xf32>, vector<16xf32>, vector<16xf32>, vector<16xf32>, vector<16xi32>, vector<16xi32>, vector<16xi32>, vector<16xi32>, vector<16xi32>, vector<16xi32>, vector<16xi32>, vector<16xi32>)  : i32 {
      %parallel_loop3A_617 = vector.broadcast %parallel_loop3A_600 : i32 to vector<16xi32>
      %parallel_loop3A_618 = arith.constant 128 : i32
      %parallel_loop3A_619 = arith.muli %parallel_loop3A_600, %parallel_loop3A_618 : i32
      %parallel_loop3A_620 = arith.constant 0 : i32
      %parallel_loop3A_621 = arith.addi %parallel_loop3A_619, %parallel_loop3A_620 : i32
      %parallel_loop3A_622 = arith.constant 0 : i32
      %parallel_loop3A_623 = arith.index_cast %parallel_loop3A_622 : i32 to index
      %parallel_loop3A_624 = arith.index_cast %parallel_loop3A_621 : i32 to index
      %parallel_loop3A_625 = tpu.vector_load %arg4[%parallel_loop3A_623, %parallel_loop3A_624] {strides = array<i32>} : memref<2x32768xf32, #tpu.memory_space<vmem>>, vector<16xf32>,
      %parallel_loop3A_626 = arith.cmpf olt, %parallel_loop3A_625, %parallel_loop3A_601 : vector<16xf32>
      %parallel_loop3A_627 = arith.minimumf %parallel_loop3A_601, %parallel_loop3A_625 : vector<16xf32>
      %parallel_loop3A_628 = arith.select %parallel_loop3A_626, %parallel_loop3A_617, %parallel_loop3A_609 : vector<16xi1>, vector<16xi32>
      %parallel_loop3A_629 = arith.constant 128 : i32
      %parallel_loop3A_630 = arith.muli %parallel_loop3A_600, %parallel_loop3A_629 : i32
      %parallel_loop3A_631 = arith.constant 16 : i32
      %parallel_loop3A_632 = arith.addi %parallel_loop3A_630, %parallel_loop3A_631 : i32
      %parallel_loop3A_633 = arith.constant 0 : i32
      %parallel_loop3A_634 = arith.index_cast %parallel_loop3A_633 : i32 to index
      %parallel_loop3A_635 = arith.index_cast %parallel_loop3A_632 : i32 to index
      %parallel_loop3A_636 = tpu.vector_load %arg4[%parallel_loop3A_634, %parallel_loop3A_635] {strides = array<i32>} : memref<2x32768xf32, #tpu.memory_space<vmem>>, vector<16xf32>,
      %parallel_loop3A_637 = arith.cmpf olt, %parallel_loop3A_636, %parallel_loop3A_602 : vector<16xf32>
      %parallel_loop3A_638 = arith.minimumf %parallel_loop3A_602, %parallel_loop3A_636 : vector<16xf32>
      %parallel_loop3A_639 = arith.select %parallel_loop3A_637, %parallel_loop3A_617, %parallel_loop3A_610 : vector<16xi1>, vector<16xi32>
      %parallel_loop3A_640 = arith.constant 128 : i32
      %parallel_loop3A_641 = arith.muli %parallel_loop3A_600, %parallel_loop3A_640 : i32
      %parallel_loop3A_642 = arith.constant 32 : i32
      %parallel_loop3A_643 = arith.addi %parallel_loop3A_641, %parallel_loop3A_642 : i32
      %parallel_loop3A_644 = arith.constant 0 : i32
      %parallel_loop3A_645 = arith.index_cast %parallel_loop3A_644 : i32 to index
      %parallel_loop3A_646 = arith.index_cast %parallel_loop3A_643 : i32 to index
      %parallel_loop3A_647 = tpu.vector_load %arg4[%parallel_loop3A_645, %parallel_loop3A_646] {strides = array<i32>} : memref<2x32768xf32, #tpu.memory_space<vmem>>, vector<16xf32>,
      %parallel_loop3A_648 = arith.cmpf olt, %parallel_loop3A_647, %parallel_loop3A_603 : vector<16xf32>
      %parallel_loop3A_649 = arith.minimumf %parallel_loop3A_603, %parallel_loop3A_647 : vector<16xf32>
      %parallel_loop3A_650 = arith.select %parallel_loop3A_648, %parallel_loop3A_617, %parallel_loop3A_611 : vector<16xi1>, vector<16xi32>
      %parallel_loop3A_651 = arith.constant 128 : i32
      %parallel_loop3A_652 = arith.muli %parallel_loop3A_600, %parallel_loop3A_651 : i32
      %parallel_loop3A_653 = arith.constant 48 : i32
      %parallel_loop3A_654 = arith.addi %parallel_loop3A_652, %parallel_loop3A_653 : i32
      %parallel_loop3A_655 = arith.constant 0 : i32
      %parallel_loop3A_656 = arith.index_cast %parallel_loop3A_655 : i32 to index
      %parallel_loop3A_657 = arith.index_cast %parallel_loop3A_654 : i32 to index
      %parallel_loop3A_658 = tpu.vector_load %arg4[%parallel_loop3A_656, %parallel_loop3A_657] {strides = array<i32>} : memref<2x32768xf32, #tpu.memory_space<vmem>>, vector<16xf32>,
      %parallel_loop3A_659 = arith.cmpf olt, %parallel_loop3A_658, %parallel_loop3A_604 : vector<16xf32>
      %parallel_loop3A_660 = arith.minimumf %parallel_loop3A_604, %parallel_loop3A_658 : vector<16xf32>
      %parallel_loop3A_661 = arith.select %parallel_loop3A_659, %parallel_loop3A_617, %parallel_loop3A_612 : vector<16xi1>, vector<16xi32>
      %parallel_loop3A_662 = arith.constant 128 : i32
      %parallel_loop3A_663 = arith.muli %parallel_loop3A_600, %parallel_loop3A_662 : i32
      %parallel_loop3A_664 = arith.constant 64 : i32
      %parallel_loop3A_665 = arith.addi %parallel_loop3A_663, %parallel_loop3A_664 : i32
      %parallel_loop3A_666 = arith.constant 0 : i32
      %parallel_loop3A_667 = arith.index_cast %parallel_loop3A_666 : i32 to index
      %parallel_loop3A_668 = arith.index_cast %parallel_loop3A_665 : i32 to index
      %parallel_loop3A_669 = tpu.vector_load %arg4[%parallel_loop3A_667, %parallel_loop3A_668] {strides = array<i32>} : memref<2x32768xf32, #tpu.memory_space<vmem>>, vector<16xf32>,
      %parallel_loop3A_670 = arith.cmpf olt, %parallel_loop3A_669, %parallel_loop3A_605 : vector<16xf32>
      %parallel_loop3A_671 = arith.minimumf %parallel_loop3A_605, %parallel_loop3A_669 : vector<16xf32>
      %parallel_loop3A_672 = arith.select %parallel_loop3A_670, %parallel_loop3A_617, %parallel_loop3A_613 : vector<16xi1>, vector<16xi32>
      %parallel_loop3A_673 = arith.constant 128 : i32
      %parallel_loop3A_674 = arith.muli %parallel_loop3A_600, %parallel_loop3A_673 : i32
      %parallel_loop3A_675 = arith.constant 80 : i32
      %parallel_loop3A_676 = arith.addi %parallel_loop3A_674, %parallel_loop3A_675 : i32
      %parallel_loop3A_677 = arith.constant 0 : i32
      %parallel_loop3A_678 = arith.index_cast %parallel_loop3A_677 : i32 to index
      %parallel_loop3A_679 = arith.index_cast %parallel_loop3A_676 : i32 to index
      %parallel_loop3A_680 = tpu.vector_load %arg4[%parallel_loop3A_678, %parallel_loop3A_679] {strides = array<i32>} : memref<2x32768xf32, #tpu.memory_space<vmem>>, vector<16xf32>,
      %parallel_loop3A_681 = arith.cmpf olt, %parallel_loop3A_680, %parallel_loop3A_606 : vector<16xf32>
      %parallel_loop3A_682 = arith.minimumf %parallel_loop3A_606, %parallel_loop3A_680 : vector<16xf32>
      %parallel_loop3A_683 = arith.select %parallel_loop3A_681, %parallel_loop3A_617, %parallel_loop3A_614 : vector<16xi1>, vector<16xi32>
      %parallel_loop3A_684 = arith.constant 128 : i32
      %parallel_loop3A_685 = arith.muli %parallel_loop3A_600, %parallel_loop3A_684 : i32
      %parallel_loop3A_686 = arith.constant 96 : i32
      %parallel_loop3A_687 = arith.addi %parallel_loop3A_685, %parallel_loop3A_686 : i32
      %parallel_loop3A_688 = arith.constant 0 : i32
      %parallel_loop3A_689 = arith.index_cast %parallel_loop3A_688 : i32 to index
      %parallel_loop3A_690 = arith.index_cast %parallel_loop3A_687 : i32 to index
      %parallel_loop3A_691 = tpu.vector_load %arg4[%parallel_loop3A_689, %parallel_loop3A_690] {strides = array<i32>} : memref<2x32768xf32, #tpu.memory_space<vmem>>, vector<16xf32>,
      %parallel_loop3A_692 = arith.cmpf olt, %parallel_loop3A_691, %parallel_loop3A_607 : vector<16xf32>
      %parallel_loop3A_693 = arith.minimumf %parallel_loop3A_607, %parallel_loop3A_691 : vector<16xf32>
      %parallel_loop3A_694 = arith.select %parallel_loop3A_692, %parallel_loop3A_617, %parallel_loop3A_615 : vector<16xi1>, vector<16xi32>
      %parallel_loop3A_695 = arith.constant 128 : i32
      %parallel_loop3A_696 = arith.muli %parallel_loop3A_600, %parallel_loop3A_695 : i32
      %parallel_loop3A_697 = arith.constant 112 : i32
      %parallel_loop3A_698 = arith.addi %parallel_loop3A_696, %parallel_loop3A_697 : i32
      %parallel_loop3A_699 = arith.constant 0 : i32
      %parallel_loop3A_700 = arith.index_cast %parallel_loop3A_699 : i32 to index
      %parallel_loop3A_701 = arith.index_cast %parallel_loop3A_698 : i32 to index
      %parallel_loop3A_702 = tpu.vector_load %arg4[%parallel_loop3A_700, %parallel_loop3A_701] {strides = array<i32>} : memref<2x32768xf32, #tpu.memory_space<vmem>>, vector<16xf32>,
      %parallel_loop3A_703 = arith.cmpf olt, %parallel_loop3A_702, %parallel_loop3A_608 : vector<16xf32>
      %parallel_loop3A_704 = arith.minimumf %parallel_loop3A_608, %parallel_loop3A_702 : vector<16xf32>
      %parallel_loop3A_705 = arith.select %parallel_loop3A_703, %parallel_loop3A_617, %parallel_loop3A_616 : vector<16xi1>, vector<16xi32>
      scf.yield %parallel_loop3A_627, %parallel_loop3A_638, %parallel_loop3A_649, %parallel_loop3A_660, %parallel_loop3A_671, %parallel_loop3A_682, %parallel_loop3A_693, %parallel_loop3A_704, %parallel_loop3A_628, %parallel_loop3A_639, %parallel_loop3A_650, %parallel_loop3A_661, %parallel_loop3A_672, %parallel_loop3A_683, %parallel_loop3A_694, %parallel_loop3A_705 : vector<16xf32>, vector<16xf32>, vector<16xf32>, vector<16xf32>, vector<16xf32>, vector<16xf32>, vector<16xf32>, vector<16xf32>, vector<16xi32>, vector<16xi32>, vector<16xi32>, vector<16xi32>, vector<16xi32>, vector<16xi32>, vector<16xi32>, vector<16xi32>
    } {sc.loop_unroll_factor = 2 : i64, sc.parallel_access}
    %mul3A_52 = arith.constant 128 : i32
    %mul3A_53 = vector.broadcast %mul3A_52 : i32 to vector<16xi32>
    %mul3A_54 = arith.muli %parallel_loop3A_51#8, %mul3A_53 : vector<16xi32>
    %add3A_55 = arith.addi %mul3A_54, %iota3A : vector<16xi32>
    %mul3A_56 = arith.constant 128 : i32
    %mul3A_57 = vector.broadcast %mul3A_56 : i32 to vector<16xi32>
    %mul3A_58 = arith.muli %parallel_loop3A_51#9, %mul3A_57 : vector<16xi32>
    %add3A_59 = arith.constant 16 : i32
    %add3A_60 = vector.broadcast %add3A_59 : i32 to vector<16xi32>
    %add3A_61 = arith.addi %mul3A_58, %add3A_60 : vector<16xi32>
    %add3A_62 = arith.addi %add3A_61, %iota3A : vector<16xi32>
    %lt3A = arith.cmpf olt, %parallel_loop3A_51#1, %parallel_loop3A_51#0 : vector<16xf32>
    %eq3A = arith.cmpf oeq, %parallel_loop3A_51#1, %parallel_loop3A_51#0 : vector<16xf32>
    %lt3A_63 = arith.cmpi slt, %add3A_62, %add3A_55 : vector<16xi32>
    %and3A = arith.andi %eq3A, %lt3A_63 : vector<16xi1>
    %or3A = arith.ori %lt3A, %and3A : vector<16xi1>
    %select_n3A = arith.select %or3A, %parallel_loop3A_51#1, %parallel_loop3A_51#0 : vector<16xi1>, vector<16xf32>
    %select_n3A_64 = arith.select %or3A, %add3A_62, %add3A_55 : vector<16xi1>, vector<16xi32>
    %mul3A_65 = arith.constant 128 : i32
    %mul3A_66 = vector.broadcast %mul3A_65 : i32 to vector<16xi32>
    %mul3A_67 = arith.muli %parallel_loop3A_51#10, %mul3A_66 : vector<16xi32>
    %add3A_68 = arith.constant 32 : i32
    %add3A_69 = vector.broadcast %add3A_68 : i32 to vector<16xi32>
    %add3A_70 = arith.addi %mul3A_67, %add3A_69 : vector<16xi32>
    %add3A_71 = arith.addi %add3A_70, %iota3A : vector<16xi32>
    %lt3A_72 = arith.cmpf olt, %parallel_loop3A_51#2, %select_n3A : vector<16xf32>
    %eq3A_73 = arith.cmpf oeq, %parallel_loop3A_51#2, %select_n3A : vector<16xf32>
    %lt3A_74 = arith.cmpi slt, %add3A_71, %select_n3A_64 : vector<16xi32>
    %and3A_75 = arith.andi %eq3A_73, %lt3A_74 : vector<16xi1>
    %or3A_76 = arith.ori %lt3A_72, %and3A_75 : vector<16xi1>
    %select_n3A_77 = arith.select %or3A_76, %parallel_loop3A_51#2, %select_n3A : vector<16xi1>, vector<16xf32>
    %select_n3A_78 = arith.select %or3A_76, %add3A_71, %select_n3A_64 : vector<16xi1>, vector<16xi32>
    %mul3A_79 = arith.constant 128 : i32
    %mul3A_80 = vector.broadcast %mul3A_79 : i32 to vector<16xi32>
    %mul3A_81 = arith.muli %parallel_loop3A_51#11, %mul3A_80 : vector<16xi32>
    %add3A_82 = arith.constant 48 : i32
    %add3A_83 = vector.broadcast %add3A_82 : i32 to vector<16xi32>
    %add3A_84 = arith.addi %mul3A_81, %add3A_83 : vector<16xi32>
    %add3A_85 = arith.addi %add3A_84, %iota3A : vector<16xi32>
    %lt3A_86 = arith.cmpf olt, %parallel_loop3A_51#3, %select_n3A_77 : vector<16xf32>
    %eq3A_87 = arith.cmpf oeq, %parallel_loop3A_51#3, %select_n3A_77 : vector<16xf32>
    %lt3A_88 = arith.cmpi slt, %add3A_85, %select_n3A_78 : vector<16xi32>
    %and3A_89 = arith.andi %eq3A_87, %lt3A_88 : vector<16xi1>
    %or3A_90 = arith.ori %lt3A_86, %and3A_89 : vector<16xi1>
    %select_n3A_91 = arith.select %or3A_90, %parallel_loop3A_51#3, %select_n3A_77 : vector<16xi1>, vector<16xf32>
    %select_n3A_92 = arith.select %or3A_90, %add3A_85, %select_n3A_78 : vector<16xi1>, vector<16xi32>
    %mul3A_93 = arith.constant 128 : i32
    %mul3A_94 = vector.broadcast %mul3A_93 : i32 to vector<16xi32>
    %mul3A_95 = arith.muli %parallel_loop3A_51#12, %mul3A_94 : vector<16xi32>
    %add3A_96 = arith.constant 64 : i32
    %add3A_97 = vector.broadcast %add3A_96 : i32 to vector<16xi32>
    %add3A_98 = arith.addi %mul3A_95, %add3A_97 : vector<16xi32>
    %add3A_99 = arith.addi %add3A_98, %iota3A : vector<16xi32>
    %lt3A_100 = arith.cmpf olt, %parallel_loop3A_51#4, %select_n3A_91 : vector<16xf32>
    %eq3A_101 = arith.cmpf oeq, %parallel_loop3A_51#4, %select_n3A_91 : vector<16xf32>
    %lt3A_102 = arith.cmpi slt, %add3A_99, %select_n3A_92 : vector<16xi32>
    %and3A_103 = arith.andi %eq3A_101, %lt3A_102 : vector<16xi1>
    %or3A_104 = arith.ori %lt3A_100, %and3A_103 : vector<16xi1>
    %select_n3A_105 = arith.select %or3A_104, %parallel_loop3A_51#4, %select_n3A_91 : vector<16xi1>, vector<16xf32>
    %select_n3A_106 = arith.select %or3A_104, %add3A_99, %select_n3A_92 : vector<16xi1>, vector<16xi32>
    %mul3A_107 = arith.constant 128 : i32
    %mul3A_108 = vector.broadcast %mul3A_107 : i32 to vector<16xi32>
    %mul3A_109 = arith.muli %parallel_loop3A_51#13, %mul3A_108 : vector<16xi32>
    %add3A_110 = arith.constant 80 : i32
    %add3A_111 = vector.broadcast %add3A_110 : i32 to vector<16xi32>
    %add3A_112 = arith.addi %mul3A_109, %add3A_111 : vector<16xi32>
    %add3A_113 = arith.addi %add3A_112, %iota3A : vector<16xi32>
    %lt3A_114 = arith.cmpf olt, %parallel_loop3A_51#5, %select_n3A_105 : vector<16xf32>
    %eq3A_115 = arith.cmpf oeq, %parallel_loop3A_51#5, %select_n3A_105 : vector<16xf32>
    %lt3A_116 = arith.cmpi slt, %add3A_113, %select_n3A_106 : vector<16xi32>
    %and3A_117 = arith.andi %eq3A_115, %lt3A_116 : vector<16xi1>
    %or3A_118 = arith.ori %lt3A_114, %and3A_117 : vector<16xi1>
    %select_n3A_119 = arith.select %or3A_118, %parallel_loop3A_51#5, %select_n3A_105 : vector<16xi1>, vector<16xf32>
    %select_n3A_120 = arith.select %or3A_118, %add3A_113, %select_n3A_106 : vector<16xi1>, vector<16xi32>
    %mul3A_121 = arith.constant 128 : i32
    %mul3A_122 = vector.broadcast %mul3A_121 : i32 to vector<16xi32>
    %mul3A_123 = arith.muli %parallel_loop3A_51#14, %mul3A_122 : vector<16xi32>
    %add3A_124 = arith.constant 96 : i32
    %add3A_125 = vector.broadcast %add3A_124 : i32 to vector<16xi32>
    %add3A_126 = arith.addi %mul3A_123, %add3A_125 : vector<16xi32>
    %add3A_127 = arith.addi %add3A_126, %iota3A : vector<16xi32>
    %lt3A_128 = arith.cmpf olt, %parallel_loop3A_51#6, %select_n3A_119 : vector<16xf32>
    %eq3A_129 = arith.cmpf oeq, %parallel_loop3A_51#6, %select_n3A_119 : vector<16xf32>
    %lt3A_130 = arith.cmpi slt, %add3A_127, %select_n3A_120 : vector<16xi32>
    %and3A_131 = arith.andi %eq3A_129, %lt3A_130 : vector<16xi1>
    %or3A_132 = arith.ori %lt3A_128, %and3A_131 : vector<16xi1>
    %select_n3A_133 = arith.select %or3A_132, %parallel_loop3A_51#6, %select_n3A_119 : vector<16xi1>, vector<16xf32>
    %select_n3A_134 = arith.select %or3A_132, %add3A_127, %select_n3A_120 : vector<16xi1>, vector<16xi32>
    %mul3A_135 = arith.constant 128 : i32
    %mul3A_136 = vector.broadcast %mul3A_135 : i32 to vector<16xi32>
    %mul3A_137 = arith.muli %parallel_loop3A_51#15, %mul3A_136 : vector<16xi32>
    %add3A_138 = arith.constant 112 : i32
    %add3A_139 = vector.broadcast %add3A_138 : i32 to vector<16xi32>
    %add3A_140 = arith.addi %mul3A_137, %add3A_139 : vector<16xi32>
    %add3A_141 = arith.addi %add3A_140, %iota3A : vector<16xi32>
    %lt3A_142 = arith.cmpf olt, %parallel_loop3A_51#7, %select_n3A_133 : vector<16xf32>
    %eq3A_143 = arith.cmpf oeq, %parallel_loop3A_51#7, %select_n3A_133 : vector<16xf32>
    %lt3A_144 = arith.cmpi slt, %add3A_141, %select_n3A_134 : vector<16xi32>
    %and3A_145 = arith.andi %eq3A_143, %lt3A_144 : vector<16xi1>
    %or3A_146 = arith.ori %lt3A_142, %and3A_145 : vector<16xi1>
    %select_n3A_147 = arith.select %or3A_146, %parallel_loop3A_51#7, %select_n3A_133 : vector<16xi1>, vector<16xf32>
    %select_n3A_148 = arith.select %or3A_146, %add3A_141, %select_n3A_134 : vector<16xi1>, vector<16xi32>
    %sort3A = arith.constant dense<true> : vector<16xi1>
    %sort3A_149, %sort3A_150, %sort3A_151 = tpu.sort %select_n3A_148, %select_n3A_147 masked %sort3A : (vector<16xi32>, vector<16xf32>, vector<16xi1>) -> (vector<16xi1>, vector<16xi32>, vector<16xf32>)
    %sort3A_152 = arith.constant dense<true> : vector<16xi1>
    %sort3A_153, %sort3A_154, %sort3A_155 = tpu.sort %sort3A_151, %sort3A_150 masked %sort3A_152 : (vector<16xf32>, vector<16xi32>, vector<16xi1>) -> (vector<16xi1>, vector<16xf32>, vector<16xi32>)
    %swap3A = arith.constant 0 : i32
    %swap3A_156 = arith.index_cast %swap3A : i32 to index
    %swap3A_157 = arith.constant 0 : index
    %swap3A_158 = tpu.vector_load %arg5[%swap3A_156, %swap3A_157] {strides = array<i32>} : memref<4x16xi32, #tpu.memory_space<vmem>>, vector<16xi32>,
    tpu.vector_store %arg5[%swap3A_156, %swap3A_157], %sort3A_155 {strides = array<i32>} : memref<4x16xi32, #tpu.memory_space<vmem>>, vector<16xi32>,
    %add3A_159 = arith.constant 1 : i32
    %add3A_160 = arith.addi %mul3A_2, %add3A_159 : i32
    %dma_wait3A_161 = arith.constant 1 : i32
    %dma_wait3A_162 = arith.constant 0 : i32
    %dma_wait3A_163 = tpu.memref_slice %arg4[%dma_wait3A_161, %dma_wait3A_162] : memref<2x32768xf32, #tpu.memory_space<vmem>> -> memref<1x32768xf32, #tpu.memory_space<vmem>>
    %dma_wait3A_164 = tpu.memref_squeeze %dma_wait3A_163 : memref<1x32768xf32, #tpu.memory_space<vmem>> -> memref<32768xf32, #tpu.memory_space<vmem>>
    %dma_wait3A_165 = arith.constant 0 : i32
    %dma_wait3A_166 = tpu.memref_slice %arg2[%add3A_160, %dma_wait3A_165] : memref<128x32768xf32, #tpu.memory_space<hbm>> -> memref<1x32768xf32, #tpu.memory_space<hbm>>
    %dma_wait3A_167 = tpu.memref_squeeze %dma_wait3A_166 : memref<1x32768xf32, #tpu.memory_space<hbm>> -> memref<32768xf32, #tpu.memory_space<hbm>>
    %dma_wait3A_168 = arith.constant 0 : i32
    %dma_wait3A_169 = tpu.memref_slice %arg4[%dma_wait3A_161, %dma_wait3A_168] : memref<2x32768xf32, #tpu.memory_space<vmem>> -> memref<1x32768xf32, #tpu.memory_space<vmem>>
    %dma_wait3A_170 = tpu.memref_squeeze %dma_wait3A_169 : memref<1x32768xf32, #tpu.memory_space<vmem>> -> memref<32768xf32, #tpu.memory_space<vmem>>
    %dma_wait3A_171 = arith.constant 0 : i32
    %dma_wait3A_172 = tpu.memref_slice %arg2[%add3A_160, %dma_wait3A_171] : memref<128x32768xf32, #tpu.memory_space<hbm>> -> memref<1x32768xf32, #tpu.memory_space<hbm>>
    %dma_wait3A_173 = tpu.memref_squeeze %dma_wait3A_172 : memref<1x32768xf32, #tpu.memory_space<hbm>> -> memref<32768xf32, #tpu.memory_space<hbm>>
    tpu.wait_dma2 semaphore(%arg7 : memref<!tpu.dma_semaphore, #tpu.memory_space<semaphore_mem>>) src(%dma_wait3A_173 : memref<32768xf32, #tpu.memory_space<hbm>>) dst(%dma_wait3A_170 : memref<32768xf32, #tpu.memory_space<vmem>>)
    %add3A_174 = arith.constant 2 : i32
    %add3A_175 = arith.addi %mul3A_2, %add3A_174 : i32
    %dma_start3A_176 = arith.constant 0 : i32
    %dma_start3A_177 = arith.constant 0 : i32
    %dma_start3A_178 = tpu.memref_slice %arg4[%dma_start3A_176, %dma_start3A_177] : memref<2x32768xf32, #tpu.memory_space<vmem>> -> memref<1x32768xf32, #tpu.memory_space<vmem>>
    %dma_start3A_179 = tpu.memref_squeeze %dma_start3A_178 : memref<1x32768xf32, #tpu.memory_space<vmem>> -> memref<32768xf32, #tpu.memory_space<vmem>>
    %dma_start3A_180 = arith.constant 0 : i32
    %dma_start3A_181 = tpu.memref_slice %arg2[%add3A_175, %dma_start3A_180] : memref<128x32768xf32, #tpu.memory_space<hbm>> -> memref<1x32768xf32, #tpu.memory_space<hbm>>
    %dma_start3A_182 = tpu.memref_squeeze %dma_start3A_181 : memref<1x32768xf32, #tpu.memory_space<hbm>> -> memref<32768xf32, #tpu.memory_space<hbm>>
    %dma_start3A_183 = arith.constant 0 : i32
    %dma_start3A_184 = tpu.memref_slice %arg4[%dma_start3A_176, %dma_start3A_183] : memref<2x32768xf32, #tpu.memory_space<vmem>> -> memref<1x32768xf32, #tpu.memory_space<vmem>>
    %dma_start3A_185 = tpu.memref_squeeze %dma_start3A_184 : memref<1x32768xf32, #tpu.memory_space<vmem>> -> memref<32768xf32, #tpu.memory_space<vmem>>
    %dma_start3A_186 = arith.constant 0 : i32
    %dma_start3A_187 = tpu.memref_slice %arg2[%add3A_175, %dma_start3A_186] : memref<128x32768xf32, #tpu.memory_space<hbm>> -> memref<1x32768xf32, #tpu.memory_space<hbm>>
    %dma_start3A_188 = tpu.memref_squeeze %dma_start3A_187 : memref<1x32768xf32, #tpu.memory_space<hbm>> -> memref<32768xf32, #tpu.memory_space<hbm>>
    tpu.enqueue_dma source(%dma_start3A_188 : memref<32768xf32, #tpu.memory_space<hbm>>) target(%dma_start3A_185 : memref<32768xf32, #tpu.memory_space<vmem>>) target_semaphore(%arg6 : memref<!tpu.dma_semaphore, #tpu.memory_space<semaphore_mem>>)
    %broadcast_in_dim3A_189 = arith.constant 0x7F800000 : f32
    %broadcast_in_dim3A_190 = vector.broadcast %broadcast_in_dim3A_189 : f32 to vector<16xf32>
    %broadcast_in_dim3A_191 = arith.constant 0 : i32
    %broadcast_in_dim3A_192 = vector.broadcast %broadcast_in_dim3A_191 : i32 to vector<16xi32>
    %parallel_loop3A_193 = arith.constant 0 : i32
    %parallel_loop3A_194 = arith.constant 256 : i32
    %parallel_loop3A_195 = arith.constant 1 : i32
    %parallel_loop3A_196:16 = scf.for %parallel_loop3A_600 = %parallel_loop3A_193 to %parallel_loop3A_194 step %parallel_loop3A_195 iter_args(%parallel_loop3A_601 = %broadcast_in_dim3A_190, %parallel_loop3A_602 = %broadcast_in_dim3A_190, %parallel_loop3A_603 = %broadcast_in_dim3A_190, %parallel_loop3A_604 = %broadcast_in_dim3A_190, %parallel_loop3A_605 = %broadcast_in_dim3A_190, %parallel_loop3A_606 = %broadcast_in_dim3A_190, %parallel_loop3A_607 = %broadcast_in_dim3A_190, %parallel_loop3A_608 = %broadcast_in_dim3A_190, %parallel_loop3A_609 = %broadcast_in_dim3A_192, %parallel_loop3A_610 = %broadcast_in_dim3A_192, %parallel_loop3A_611 = %broadcast_in_dim3A_192, %parallel_loop3A_612 = %broadcast_in_dim3A_192, %parallel_loop3A_613 = %broadcast_in_dim3A_192, %parallel_loop3A_614 = %broadcast_in_dim3A_192, %parallel_loop3A_615 = %broadcast_in_dim3A_192, %parallel_loop3A_616 = %broadcast_in_dim3A_192) -> (vector<16xf32>, vector<16xf32>, vector<16xf32>, vector<16xf32>, vector<16xf32>, vector<16xf32>, vector<16xf32>, vector<16xf32>, vector<16xi32>, vector<16xi32>, vector<16xi32>, vector<16xi32>, vector<16xi32>, vector<16xi32>, vector<16xi32>, vector<16xi32>)  : i32 {
      %parallel_loop3A_617 = vector.broadcast %parallel_loop3A_600 : i32 to vector<16xi32>
      %parallel_loop3A_618 = arith.constant 128 : i32
      %parallel_loop3A_619 = arith.muli %parallel_loop3A_600, %parallel_loop3A_618 : i32
      %parallel_loop3A_620 = arith.constant 0 : i32
      %parallel_loop3A_621 = arith.addi %parallel_loop3A_619, %parallel_loop3A_620 : i32
      %parallel_loop3A_622 = arith.constant 1 : i32
      %parallel_loop3A_623 = arith.index_cast %parallel_loop3A_622 : i32 to index
      %parallel_loop3A_624 = arith.index_cast %parallel_loop3A_621 : i32 to index
      %parallel_loop3A_625 = tpu.vector_load %arg4[%parallel_loop3A_623, %parallel_loop3A_624] {strides = array<i32>} : memref<2x32768xf32, #tpu.memory_space<vmem>>, vector<16xf32>,
      %parallel_loop3A_626 = arith.cmpf olt, %parallel_loop3A_625, %parallel_loop3A_601 : vector<16xf32>
      %parallel_loop3A_627 = arith.minimumf %parallel_loop3A_601, %parallel_loop3A_625 : vector<16xf32>
      %parallel_loop3A_628 = arith.select %parallel_loop3A_626, %parallel_loop3A_617, %parallel_loop3A_609 : vector<16xi1>, vector<16xi32>
      %parallel_loop3A_629 = arith.constant 128 : i32
      %parallel_loop3A_630 = arith.muli %parallel_loop3A_600, %parallel_loop3A_629 : i32
      %parallel_loop3A_631 = arith.constant 16 : i32
      %parallel_loop3A_632 = arith.addi %parallel_loop3A_630, %parallel_loop3A_631 : i32
      %parallel_loop3A_633 = arith.constant 1 : i32
      %parallel_loop3A_634 = arith.index_cast %parallel_loop3A_633 : i32 to index
      %parallel_loop3A_635 = arith.index_cast %parallel_loop3A_632 : i32 to index
      %parallel_loop3A_636 = tpu.vector_load %arg4[%parallel_loop3A_634, %parallel_loop3A_635] {strides = array<i32>} : memref<2x32768xf32, #tpu.memory_space<vmem>>, vector<16xf32>,
      %parallel_loop3A_637 = arith.cmpf olt, %parallel_loop3A_636, %parallel_loop3A_602 : vector<16xf32>
      %parallel_loop3A_638 = arith.minimumf %parallel_loop3A_602, %parallel_loop3A_636 : vector<16xf32>
      %parallel_loop3A_639 = arith.select %parallel_loop3A_637, %parallel_loop3A_617, %parallel_loop3A_610 : vector<16xi1>, vector<16xi32>
      %parallel_loop3A_640 = arith.constant 128 : i32
      %parallel_loop3A_641 = arith.muli %parallel_loop3A_600, %parallel_loop3A_640 : i32
      %parallel_loop3A_642 = arith.constant 32 : i32
      %parallel_loop3A_643 = arith.addi %parallel_loop3A_641, %parallel_loop3A_642 : i32
      %parallel_loop3A_644 = arith.constant 1 : i32
      %parallel_loop3A_645 = arith.index_cast %parallel_loop3A_644 : i32 to index
      %parallel_loop3A_646 = arith.index_cast %parallel_loop3A_643 : i32 to index
      %parallel_loop3A_647 = tpu.vector_load %arg4[%parallel_loop3A_645, %parallel_loop3A_646] {strides = array<i32>} : memref<2x32768xf32, #tpu.memory_space<vmem>>, vector<16xf32>,
      %parallel_loop3A_648 = arith.cmpf olt, %parallel_loop3A_647, %parallel_loop3A_603 : vector<16xf32>
      %parallel_loop3A_649 = arith.minimumf %parallel_loop3A_603, %parallel_loop3A_647 : vector<16xf32>
      %parallel_loop3A_650 = arith.select %parallel_loop3A_648, %parallel_loop3A_617, %parallel_loop3A_611 : vector<16xi1>, vector<16xi32>
      %parallel_loop3A_651 = arith.constant 128 : i32
      %parallel_loop3A_652 = arith.muli %parallel_loop3A_600, %parallel_loop3A_651 : i32
      %parallel_loop3A_653 = arith.constant 48 : i32
      %parallel_loop3A_654 = arith.addi %parallel_loop3A_652, %parallel_loop3A_653 : i32
      %parallel_loop3A_655 = arith.constant 1 : i32
      %parallel_loop3A_656 = arith.index_cast %parallel_loop3A_655 : i32 to index
      %parallel_loop3A_657 = arith.index_cast %parallel_loop3A_654 : i32 to index
      %parallel_loop3A_658 = tpu.vector_load %arg4[%parallel_loop3A_656, %parallel_loop3A_657] {strides = array<i32>} : memref<2x32768xf32, #tpu.memory_space<vmem>>, vector<16xf32>,
      %parallel_loop3A_659 = arith.cmpf olt, %parallel_loop3A_658, %parallel_loop3A_604 : vector<16xf32>
      %parallel_loop3A_660 = arith.minimumf %parallel_loop3A_604, %parallel_loop3A_658 : vector<16xf32>
      %parallel_loop3A_661 = arith.select %parallel_loop3A_659, %parallel_loop3A_617, %parallel_loop3A_612 : vector<16xi1>, vector<16xi32>
      %parallel_loop3A_662 = arith.constant 128 : i32
      %parallel_loop3A_663 = arith.muli %parallel_loop3A_600, %parallel_loop3A_662 : i32
      %parallel_loop3A_664 = arith.constant 64 : i32
      %parallel_loop3A_665 = arith.addi %parallel_loop3A_663, %parallel_loop3A_664 : i32
      %parallel_loop3A_666 = arith.constant 1 : i32
      %parallel_loop3A_667 = arith.index_cast %parallel_loop3A_666 : i32 to index
      %parallel_loop3A_668 = arith.index_cast %parallel_loop3A_665 : i32 to index
      %parallel_loop3A_669 = tpu.vector_load %arg4[%parallel_loop3A_667, %parallel_loop3A_668] {strides = array<i32>} : memref<2x32768xf32, #tpu.memory_space<vmem>>, vector<16xf32>,
      %parallel_loop3A_670 = arith.cmpf olt, %parallel_loop3A_669, %parallel_loop3A_605 : vector<16xf32>
      %parallel_loop3A_671 = arith.minimumf %parallel_loop3A_605, %parallel_loop3A_669 : vector<16xf32>
      %parallel_loop3A_672 = arith.select %parallel_loop3A_670, %parallel_loop3A_617, %parallel_loop3A_613 : vector<16xi1>, vector<16xi32>
      %parallel_loop3A_673 = arith.constant 128 : i32
      %parallel_loop3A_674 = arith.muli %parallel_loop3A_600, %parallel_loop3A_673 : i32
      %parallel_loop3A_675 = arith.constant 80 : i32
      %parallel_loop3A_676 = arith.addi %parallel_loop3A_674, %parallel_loop3A_675 : i32
      %parallel_loop3A_677 = arith.constant 1 : i32
      %parallel_loop3A_678 = arith.index_cast %parallel_loop3A_677 : i32 to index
      %parallel_loop3A_679 = arith.index_cast %parallel_loop3A_676 : i32 to index
      %parallel_loop3A_680 = tpu.vector_load %arg4[%parallel_loop3A_678, %parallel_loop3A_679] {strides = array<i32>} : memref<2x32768xf32, #tpu.memory_space<vmem>>, vector<16xf32>,
      %parallel_loop3A_681 = arith.cmpf olt, %parallel_loop3A_680, %parallel_loop3A_606 : vector<16xf32>
      %parallel_loop3A_682 = arith.minimumf %parallel_loop3A_606, %parallel_loop3A_680 : vector<16xf32>
      %parallel_loop3A_683 = arith.select %parallel_loop3A_681, %parallel_loop3A_617, %parallel_loop3A_614 : vector<16xi1>, vector<16xi32>
      %parallel_loop3A_684 = arith.constant 128 : i32
      %parallel_loop3A_685 = arith.muli %parallel_loop3A_600, %parallel_loop3A_684 : i32
      %parallel_loop3A_686 = arith.constant 96 : i32
      %parallel_loop3A_687 = arith.addi %parallel_loop3A_685, %parallel_loop3A_686 : i32
      %parallel_loop3A_688 = arith.constant 1 : i32
      %parallel_loop3A_689 = arith.index_cast %parallel_loop3A_688 : i32 to index
      %parallel_loop3A_690 = arith.index_cast %parallel_loop3A_687 : i32 to index
      %parallel_loop3A_691 = tpu.vector_load %arg4[%parallel_loop3A_689, %parallel_loop3A_690] {strides = array<i32>} : memref<2x32768xf32, #tpu.memory_space<vmem>>, vector<16xf32>,
      %parallel_loop3A_692 = arith.cmpf olt, %parallel_loop3A_691, %parallel_loop3A_607 : vector<16xf32>
      %parallel_loop3A_693 = arith.minimumf %parallel_loop3A_607, %parallel_loop3A_691 : vector<16xf32>
      %parallel_loop3A_694 = arith.select %parallel_loop3A_692, %parallel_loop3A_617, %parallel_loop3A_615 : vector<16xi1>, vector<16xi32>
      %parallel_loop3A_695 = arith.constant 128 : i32
      %parallel_loop3A_696 = arith.muli %parallel_loop3A_600, %parallel_loop3A_695 : i32
      %parallel_loop3A_697 = arith.constant 112 : i32
      %parallel_loop3A_698 = arith.addi %parallel_loop3A_696, %parallel_loop3A_697 : i32
      %parallel_loop3A_699 = arith.constant 1 : i32
      %parallel_loop3A_700 = arith.index_cast %parallel_loop3A_699 : i32 to index
      %parallel_loop3A_701 = arith.index_cast %parallel_loop3A_698 : i32 to index
      %parallel_loop3A_702 = tpu.vector_load %arg4[%parallel_loop3A_700, %parallel_loop3A_701] {strides = array<i32>} : memref<2x32768xf32, #tpu.memory_space<vmem>>, vector<16xf32>,
      %parallel_loop3A_703 = arith.cmpf olt, %parallel_loop3A_702, %parallel_loop3A_608 : vector<16xf32>
      %parallel_loop3A_704 = arith.minimumf %parallel_loop3A_608, %parallel_loop3A_702 : vector<16xf32>
      %parallel_loop3A_705 = arith.select %parallel_loop3A_703, %parallel_loop3A_617, %parallel_loop3A_616 : vector<16xi1>, vector<16xi32>
      scf.yield %parallel_loop3A_627, %parallel_loop3A_638, %parallel_loop3A_649, %parallel_loop3A_660, %parallel_loop3A_671, %parallel_loop3A_682, %parallel_loop3A_693, %parallel_loop3A_704, %parallel_loop3A_628, %parallel_loop3A_639, %parallel_loop3A_650, %parallel_loop3A_661, %parallel_loop3A_672, %parallel_loop3A_683, %parallel_loop3A_694, %parallel_loop3A_705 : vector<16xf32>, vector<16xf32>, vector<16xf32>, vector<16xf32>, vector<16xf32>, vector<16xf32>, vector<16xf32>, vector<16xf32>, vector<16xi32>, vector<16xi32>, vector<16xi32>, vector<16xi32>, vector<16xi32>, vector<16xi32>, vector<16xi32>, vector<16xi32>
    } {sc.loop_unroll_factor = 2 : i64, sc.parallel_access}
    %mul3A_197 = arith.constant 128 : i32
    %mul3A_198 = vector.broadcast %mul3A_197 : i32 to vector<16xi32>
    %mul3A_199 = arith.muli %parallel_loop3A_196#8, %mul3A_198 : vector<16xi32>
    %add3A_200 = arith.addi %mul3A_199, %iota3A : vector<16xi32>
    %mul3A_201 = arith.constant 128 : i32
    %mul3A_202 = vector.broadcast %mul3A_201 : i32 to vector<16xi32>
    %mul3A_203 = arith.muli %parallel_loop3A_196#9, %mul3A_202 : vector<16xi32>
    %add3A_204 = arith.constant 16 : i32
    %add3A_205 = vector.broadcast %add3A_204 : i32 to vector<16xi32>
    %add3A_206 = arith.addi %mul3A_203, %add3A_205 : vector<16xi32>
    %add3A_207 = arith.addi %add3A_206, %iota3A : vector<16xi32>
    %lt3A_208 = arith.cmpf olt, %parallel_loop3A_196#1, %parallel_loop3A_196#0 : vector<16xf32>
    %eq3A_209 = arith.cmpf oeq, %parallel_loop3A_196#1, %parallel_loop3A_196#0 : vector<16xf32>
    %lt3A_210 = arith.cmpi slt, %add3A_207, %add3A_200 : vector<16xi32>
    %and3A_211 = arith.andi %eq3A_209, %lt3A_210 : vector<16xi1>
    %or3A_212 = arith.ori %lt3A_208, %and3A_211 : vector<16xi1>
    %select_n3A_213 = arith.select %or3A_212, %parallel_loop3A_196#1, %parallel_loop3A_196#0 : vector<16xi1>, vector<16xf32>
    %select_n3A_214 = arith.select %or3A_212, %add3A_207, %add3A_200 : vector<16xi1>, vector<16xi32>
    %mul3A_215 = arith.constant 128 : i32
    %mul3A_216 = vector.broadcast %mul3A_215 : i32 to vector<16xi32>
    %mul3A_217 = arith.muli %parallel_loop3A_196#10, %mul3A_216 : vector<16xi32>
    %add3A_218 = arith.constant 32 : i32
    %add3A_219 = vector.broadcast %add3A_218 : i32 to vector<16xi32>
    %add3A_220 = arith.addi %mul3A_217, %add3A_219 : vector<16xi32>
    %add3A_221 = arith.addi %add3A_220, %iota3A : vector<16xi32>
    %lt3A_222 = arith.cmpf olt, %parallel_loop3A_196#2, %select_n3A_213 : vector<16xf32>
    %eq3A_223 = arith.cmpf oeq, %parallel_loop3A_196#2, %select_n3A_213 : vector<16xf32>
    %lt3A_224 = arith.cmpi slt, %add3A_221, %select_n3A_214 : vector<16xi32>
    %and3A_225 = arith.andi %eq3A_223, %lt3A_224 : vector<16xi1>
    %or3A_226 = arith.ori %lt3A_222, %and3A_225 : vector<16xi1>
    %select_n3A_227 = arith.select %or3A_226, %parallel_loop3A_196#2, %select_n3A_213 : vector<16xi1>, vector<16xf32>
    %select_n3A_228 = arith.select %or3A_226, %add3A_221, %select_n3A_214 : vector<16xi1>, vector<16xi32>
    %mul3A_229 = arith.constant 128 : i32
    %mul3A_230 = vector.broadcast %mul3A_229 : i32 to vector<16xi32>
    %mul3A_231 = arith.muli %parallel_loop3A_196#11, %mul3A_230 : vector<16xi32>
    %add3A_232 = arith.constant 48 : i32
    %add3A_233 = vector.broadcast %add3A_232 : i32 to vector<16xi32>
    %add3A_234 = arith.addi %mul3A_231, %add3A_233 : vector<16xi32>
    %add3A_235 = arith.addi %add3A_234, %iota3A : vector<16xi32>
    %lt3A_236 = arith.cmpf olt, %parallel_loop3A_196#3, %select_n3A_227 : vector<16xf32>
    %eq3A_237 = arith.cmpf oeq, %parallel_loop3A_196#3, %select_n3A_227 : vector<16xf32>
    %lt3A_238 = arith.cmpi slt, %add3A_235, %select_n3A_228 : vector<16xi32>
    %and3A_239 = arith.andi %eq3A_237, %lt3A_238 : vector<16xi1>
    %or3A_240 = arith.ori %lt3A_236, %and3A_239 : vector<16xi1>
    %select_n3A_241 = arith.select %or3A_240, %parallel_loop3A_196#3, %select_n3A_227 : vector<16xi1>, vector<16xf32>
    %select_n3A_242 = arith.select %or3A_240, %add3A_235, %select_n3A_228 : vector<16xi1>, vector<16xi32>
    %mul3A_243 = arith.constant 128 : i32
    %mul3A_244 = vector.broadcast %mul3A_243 : i32 to vector<16xi32>
    %mul3A_245 = arith.muli %parallel_loop3A_196#12, %mul3A_244 : vector<16xi32>
    %add3A_246 = arith.constant 64 : i32
    %add3A_247 = vector.broadcast %add3A_246 : i32 to vector<16xi32>
    %add3A_248 = arith.addi %mul3A_245, %add3A_247 : vector<16xi32>
    %add3A_249 = arith.addi %add3A_248, %iota3A : vector<16xi32>
    %lt3A_250 = arith.cmpf olt, %parallel_loop3A_196#4, %select_n3A_241 : vector<16xf32>
    %eq3A_251 = arith.cmpf oeq, %parallel_loop3A_196#4, %select_n3A_241 : vector<16xf32>
    %lt3A_252 = arith.cmpi slt, %add3A_249, %select_n3A_242 : vector<16xi32>
    %and3A_253 = arith.andi %eq3A_251, %lt3A_252 : vector<16xi1>
    %or3A_254 = arith.ori %lt3A_250, %and3A_253 : vector<16xi1>
    %select_n3A_255 = arith.select %or3A_254, %parallel_loop3A_196#4, %select_n3A_241 : vector<16xi1>, vector<16xf32>
    %select_n3A_256 = arith.select %or3A_254, %add3A_249, %select_n3A_242 : vector<16xi1>, vector<16xi32>
    %mul3A_257 = arith.constant 128 : i32
    %mul3A_258 = vector.broadcast %mul3A_257 : i32 to vector<16xi32>
    %mul3A_259 = arith.muli %parallel_loop3A_196#13, %mul3A_258 : vector<16xi32>
    %add3A_260 = arith.constant 80 : i32
    %add3A_261 = vector.broadcast %add3A_260 : i32 to vector<16xi32>
    %add3A_262 = arith.addi %mul3A_259, %add3A_261 : vector<16xi32>
    %add3A_263 = arith.addi %add3A_262, %iota3A : vector<16xi32>
    %lt3A_264 = arith.cmpf olt, %parallel_loop3A_196#5, %select_n3A_255 : vector<16xf32>
    %eq3A_265 = arith.cmpf oeq, %parallel_loop3A_196#5, %select_n3A_255 : vector<16xf32>
    %lt3A_266 = arith.cmpi slt, %add3A_263, %select_n3A_256 : vector<16xi32>
    %and3A_267 = arith.andi %eq3A_265, %lt3A_266 : vector<16xi1>
    %or3A_268 = arith.ori %lt3A_264, %and3A_267 : vector<16xi1>
    %select_n3A_269 = arith.select %or3A_268, %parallel_loop3A_196#5, %select_n3A_255 : vector<16xi1>, vector<16xf32>
    %select_n3A_270 = arith.select %or3A_268, %add3A_263, %select_n3A_256 : vector<16xi1>, vector<16xi32>
    %mul3A_271 = arith.constant 128 : i32
    %mul3A_272 = vector.broadcast %mul3A_271 : i32 to vector<16xi32>
    %mul3A_273 = arith.muli %parallel_loop3A_196#14, %mul3A_272 : vector<16xi32>
    %add3A_274 = arith.constant 96 : i32
    %add3A_275 = vector.broadcast %add3A_274 : i32 to vector<16xi32>
    %add3A_276 = arith.addi %mul3A_273, %add3A_275 : vector<16xi32>
    %add3A_277 = arith.addi %add3A_276, %iota3A : vector<16xi32>
    %lt3A_278 = arith.cmpf olt, %parallel_loop3A_196#6, %select_n3A_269 : vector<16xf32>
    %eq3A_279 = arith.cmpf oeq, %parallel_loop3A_196#6, %select_n3A_269 : vector<16xf32>
    %lt3A_280 = arith.cmpi slt, %add3A_277, %select_n3A_270 : vector<16xi32>
    %and3A_281 = arith.andi %eq3A_279, %lt3A_280 : vector<16xi1>
    %or3A_282 = arith.ori %lt3A_278, %and3A_281 : vector<16xi1>
    %select_n3A_283 = arith.select %or3A_282, %parallel_loop3A_196#6, %select_n3A_269 : vector<16xi1>, vector<16xf32>
    %select_n3A_284 = arith.select %or3A_282, %add3A_277, %select_n3A_270 : vector<16xi1>, vector<16xi32>
    %mul3A_285 = arith.constant 128 : i32
    %mul3A_286 = vector.broadcast %mul3A_285 : i32 to vector<16xi32>
    %mul3A_287 = arith.muli %parallel_loop3A_196#15, %mul3A_286 : vector<16xi32>
    %add3A_288 = arith.constant 112 : i32
    %add3A_289 = vector.broadcast %add3A_288 : i32 to vector<16xi32>
    %add3A_290 = arith.addi %mul3A_287, %add3A_289 : vector<16xi32>
    %add3A_291 = arith.addi %add3A_290, %iota3A : vector<16xi32>
    %lt3A_292 = arith.cmpf olt, %parallel_loop3A_196#7, %select_n3A_283 : vector<16xf32>
    %eq3A_293 = arith.cmpf oeq, %parallel_loop3A_196#7, %select_n3A_283 : vector<16xf32>
    %lt3A_294 = arith.cmpi slt, %add3A_291, %select_n3A_284 : vector<16xi32>
    %and3A_295 = arith.andi %eq3A_293, %lt3A_294 : vector<16xi1>
    %or3A_296 = arith.ori %lt3A_292, %and3A_295 : vector<16xi1>
    %select_n3A_297 = arith.select %or3A_296, %parallel_loop3A_196#7, %select_n3A_283 : vector<16xi1>, vector<16xf32>
    %select_n3A_298 = arith.select %or3A_296, %add3A_291, %select_n3A_284 : vector<16xi1>, vector<16xi32>
    %sort3A_299 = arith.constant dense<true> : vector<16xi1>
    %sort3A_300, %sort3A_301, %sort3A_302 = tpu.sort %select_n3A_298, %select_n3A_297 masked %sort3A_299 : (vector<16xi32>, vector<16xf32>, vector<16xi1>) -> (vector<16xi1>, vector<16xi32>, vector<16xf32>)
    %sort3A_303 = arith.constant dense<true> : vector<16xi1>
    %sort3A_304, %sort3A_305, %sort3A_306 = tpu.sort %sort3A_302, %sort3A_301 masked %sort3A_303 : (vector<16xf32>, vector<16xi32>, vector<16xi1>) -> (vector<16xi1>, vector<16xf32>, vector<16xi32>)
    %swap3A_307 = arith.constant 1 : i32
    %swap3A_308 = arith.index_cast %swap3A_307 : i32 to index
    %swap3A_309 = arith.constant 0 : index
    %swap3A_310 = tpu.vector_load %arg5[%swap3A_308, %swap3A_309] {strides = array<i32>} : memref<4x16xi32, #tpu.memory_space<vmem>>, vector<16xi32>,
    tpu.vector_store %arg5[%swap3A_308, %swap3A_309], %sort3A_306 {strides = array<i32>} : memref<4x16xi32, #tpu.memory_space<vmem>>, vector<16xi32>,
    %add3A_311 = arith.constant 2 : i32
    %add3A_312 = arith.addi %mul3A_2, %add3A_311 : i32
    %dma_wait3A_313 = arith.constant 0 : i32
    %dma_wait3A_314 = arith.constant 0 : i32
    %dma_wait3A_315 = tpu.memref_slice %arg4[%dma_wait3A_313, %dma_wait3A_314] : memref<2x32768xf32, #tpu.memory_space<vmem>> -> memref<1x32768xf32, #tpu.memory_space<vmem>>
    %dma_wait3A_316 = tpu.memref_squeeze %dma_wait3A_315 : memref<1x32768xf32, #tpu.memory_space<vmem>> -> memref<32768xf32, #tpu.memory_space<vmem>>
    %dma_wait3A_317 = arith.constant 0 : i32
    %dma_wait3A_318 = tpu.memref_slice %arg2[%add3A_312, %dma_wait3A_317] : memref<128x32768xf32, #tpu.memory_space<hbm>> -> memref<1x32768xf32, #tpu.memory_space<hbm>>
    %dma_wait3A_319 = tpu.memref_squeeze %dma_wait3A_318 : memref<1x32768xf32, #tpu.memory_space<hbm>> -> memref<32768xf32, #tpu.memory_space<hbm>>
    %dma_wait3A_320 = arith.constant 0 : i32
    %dma_wait3A_321 = tpu.memref_slice %arg4[%dma_wait3A_313, %dma_wait3A_320] : memref<2x32768xf32, #tpu.memory_space<vmem>> -> memref<1x32768xf32, #tpu.memory_space<vmem>>
    %dma_wait3A_322 = tpu.memref_squeeze %dma_wait3A_321 : memref<1x32768xf32, #tpu.memory_space<vmem>> -> memref<32768xf32, #tpu.memory_space<vmem>>
    %dma_wait3A_323 = arith.constant 0 : i32
    %dma_wait3A_324 = tpu.memref_slice %arg2[%add3A_312, %dma_wait3A_323] : memref<128x32768xf32, #tpu.memory_space<hbm>> -> memref<1x32768xf32, #tpu.memory_space<hbm>>
    %dma_wait3A_325 = tpu.memref_squeeze %dma_wait3A_324 : memref<1x32768xf32, #tpu.memory_space<hbm>> -> memref<32768xf32, #tpu.memory_space<hbm>>
    tpu.wait_dma2 semaphore(%arg6 : memref<!tpu.dma_semaphore, #tpu.memory_space<semaphore_mem>>) src(%dma_wait3A_325 : memref<32768xf32, #tpu.memory_space<hbm>>) dst(%dma_wait3A_322 : memref<32768xf32, #tpu.memory_space<vmem>>)
    %add3A_326 = arith.constant 3 : i32
    %add3A_327 = arith.addi %mul3A_2, %add3A_326 : i32
    %dma_start3A_328 = arith.constant 1 : i32
    %dma_start3A_329 = arith.constant 0 : i32
    %dma_start3A_330 = tpu.memref_slice %arg4[%dma_start3A_328, %dma_start3A_329] : memref<2x32768xf32, #tpu.memory_space<vmem>> -> memref<1x32768xf32, #tpu.memory_space<vmem>>
    %dma_start3A_331 = tpu.memref_squeeze %dma_start3A_330 : memref<1x32768xf32, #tpu.memory_space<vmem>> -> memref<32768xf32, #tpu.memory_space<vmem>>
    %dma_start3A_332 = arith.constant 0 : i32
    %dma_start3A_333 = tpu.memref_slice %arg2[%add3A_327, %dma_start3A_332] : memref<128x32768xf32, #tpu.memory_space<hbm>> -> memref<1x32768xf32, #tpu.memory_space<hbm>>
    %dma_start3A_334 = tpu.memref_squeeze %dma_start3A_333 : memref<1x32768xf32, #tpu.memory_space<hbm>> -> memref<32768xf32, #tpu.memory_space<hbm>>
    %dma_start3A_335 = arith.constant 0 : i32
    %dma_start3A_336 = tpu.memref_slice %arg4[%dma_start3A_328, %dma_start3A_335] : memref<2x32768xf32, #tpu.memory_space<vmem>> -> memref<1x32768xf32, #tpu.memory_space<vmem>>
    %dma_start3A_337 = tpu.memref_squeeze %dma_start3A_336 : memref<1x32768xf32, #tpu.memory_space<vmem>> -> memref<32768xf32, #tpu.memory_space<vmem>>
    %dma_start3A_338 = arith.constant 0 : i32
    %dma_start3A_339 = tpu.memref_slice %arg2[%add3A_327, %dma_start3A_338] : memref<128x32768xf32, #tpu.memory_space<hbm>> -> memref<1x32768xf32, #tpu.memory_space<hbm>>
    %dma_start3A_340 = tpu.memref_squeeze %dma_start3A_339 : memref<1x32768xf32, #tpu.memory_space<hbm>> -> memref<32768xf32, #tpu.memory_space<hbm>>
    tpu.enqueue_dma source(%dma_start3A_340 : memref<32768xf32, #tpu.memory_space<hbm>>) target(%dma_start3A_337 : memref<32768xf32, #tpu.memory_space<vmem>>) target_semaphore(%arg7 : memref<!tpu.dma_semaphore, #tpu.memory_space<semaphore_mem>>)
    %broadcast_in_dim3A_341 = arith.constant 0x7F800000 : f32
    %broadcast_in_dim3A_342 = vector.broadcast %broadcast_in_dim3A_341 : f32 to vector<16xf32>
    %broadcast_in_dim3A_343 = arith.constant 0 : i32
    %broadcast_in_dim3A_344 = vector.broadcast %broadcast_in_dim3A_343 : i32 to vector<16xi32>
    %parallel_loop3A_345 = arith.constant 0 : i32
    %parallel_loop3A_346 = arith.constant 256 : i32
    %parallel_loop3A_347 = arith.constant 1 : i32
    %parallel_loop3A_348:16 = scf.for %parallel_loop3A_600 = %parallel_loop3A_345 to %parallel_loop3A_346 step %parallel_loop3A_347 iter_args(%parallel_loop3A_601 = %broadcast_in_dim3A_342, %parallel_loop3A_602 = %broadcast_in_dim3A_342, %parallel_loop3A_603 = %broadcast_in_dim3A_342, %parallel_loop3A_604 = %broadcast_in_dim3A_342, %parallel_loop3A_605 = %broadcast_in_dim3A_342, %parallel_loop3A_606 = %broadcast_in_dim3A_342, %parallel_loop3A_607 = %broadcast_in_dim3A_342, %parallel_loop3A_608 = %broadcast_in_dim3A_342, %parallel_loop3A_609 = %broadcast_in_dim3A_344, %parallel_loop3A_610 = %broadcast_in_dim3A_344, %parallel_loop3A_611 = %broadcast_in_dim3A_344, %parallel_loop3A_612 = %broadcast_in_dim3A_344, %parallel_loop3A_613 = %broadcast_in_dim3A_344, %parallel_loop3A_614 = %broadcast_in_dim3A_344, %parallel_loop3A_615 = %broadcast_in_dim3A_344, %parallel_loop3A_616 = %broadcast_in_dim3A_344) -> (vector<16xf32>, vector<16xf32>, vector<16xf32>, vector<16xf32>, vector<16xf32>, vector<16xf32>, vector<16xf32>, vector<16xf32>, vector<16xi32>, vector<16xi32>, vector<16xi32>, vector<16xi32>, vector<16xi32>, vector<16xi32>, vector<16xi32>, vector<16xi32>)  : i32 {
      %parallel_loop3A_617 = vector.broadcast %parallel_loop3A_600 : i32 to vector<16xi32>
      %parallel_loop3A_618 = arith.constant 128 : i32
      %parallel_loop3A_619 = arith.muli %parallel_loop3A_600, %parallel_loop3A_618 : i32
      %parallel_loop3A_620 = arith.constant 0 : i32
      %parallel_loop3A_621 = arith.addi %parallel_loop3A_619, %parallel_loop3A_620 : i32
      %parallel_loop3A_622 = arith.constant 0 : i32
      %parallel_loop3A_623 = arith.index_cast %parallel_loop3A_622 : i32 to index
      %parallel_loop3A_624 = arith.index_cast %parallel_loop3A_621 : i32 to index
      %parallel_loop3A_625 = tpu.vector_load %arg4[%parallel_loop3A_623, %parallel_loop3A_624] {strides = array<i32>} : memref<2x32768xf32, #tpu.memory_space<vmem>>, vector<16xf32>,
      %parallel_loop3A_626 = arith.cmpf olt, %parallel_loop3A_625, %parallel_loop3A_601 : vector<16xf32>
      %parallel_loop3A_627 = arith.minimumf %parallel_loop3A_601, %parallel_loop3A_625 : vector<16xf32>
      %parallel_loop3A_628 = arith.select %parallel_loop3A_626, %parallel_loop3A_617, %parallel_loop3A_609 : vector<16xi1>, vector<16xi32>
      %parallel_loop3A_629 = arith.constant 128 : i32
      %parallel_loop3A_630 = arith.muli %parallel_loop3A_600, %parallel_loop3A_629 : i32
      %parallel_loop3A_631 = arith.constant 16 : i32
      %parallel_loop3A_632 = arith.addi %parallel_loop3A_630, %parallel_loop3A_631 : i32
      %parallel_loop3A_633 = arith.constant 0 : i32
      %parallel_loop3A_634 = arith.index_cast %parallel_loop3A_633 : i32 to index
      %parallel_loop3A_635 = arith.index_cast %parallel_loop3A_632 : i32 to index
      %parallel_loop3A_636 = tpu.vector_load %arg4[%parallel_loop3A_634, %parallel_loop3A_635] {strides = array<i32>} : memref<2x32768xf32, #tpu.memory_space<vmem>>, vector<16xf32>,
      %parallel_loop3A_637 = arith.cmpf olt, %parallel_loop3A_636, %parallel_loop3A_602 : vector<16xf32>
      %parallel_loop3A_638 = arith.minimumf %parallel_loop3A_602, %parallel_loop3A_636 : vector<16xf32>
      %parallel_loop3A_639 = arith.select %parallel_loop3A_637, %parallel_loop3A_617, %parallel_loop3A_610 : vector<16xi1>, vector<16xi32>
      %parallel_loop3A_640 = arith.constant 128 : i32
      %parallel_loop3A_641 = arith.muli %parallel_loop3A_600, %parallel_loop3A_640 : i32
      %parallel_loop3A_642 = arith.constant 32 : i32
      %parallel_loop3A_643 = arith.addi %parallel_loop3A_641, %parallel_loop3A_642 : i32
      %parallel_loop3A_644 = arith.constant 0 : i32
      %parallel_loop3A_645 = arith.index_cast %parallel_loop3A_644 : i32 to index
      %parallel_loop3A_646 = arith.index_cast %parallel_loop3A_643 : i32 to index
      %parallel_loop3A_647 = tpu.vector_load %arg4[%parallel_loop3A_645, %parallel_loop3A_646] {strides = array<i32>} : memref<2x32768xf32, #tpu.memory_space<vmem>>, vector<16xf32>,
      %parallel_loop3A_648 = arith.cmpf olt, %parallel_loop3A_647, %parallel_loop3A_603 : vector<16xf32>
      %parallel_loop3A_649 = arith.minimumf %parallel_loop3A_603, %parallel_loop3A_647 : vector<16xf32>
      %parallel_loop3A_650 = arith.select %parallel_loop3A_648, %parallel_loop3A_617, %parallel_loop3A_611 : vector<16xi1>, vector<16xi32>
      %parallel_loop3A_651 = arith.constant 128 : i32
      %parallel_loop3A_652 = arith.muli %parallel_loop3A_600, %parallel_loop3A_651 : i32
      %parallel_loop3A_653 = arith.constant 48 : i32
      %parallel_loop3A_654 = arith.addi %parallel_loop3A_652, %parallel_loop3A_653 : i32
      %parallel_loop3A_655 = arith.constant 0 : i32
      %parallel_loop3A_656 = arith.index_cast %parallel_loop3A_655 : i32 to index
      %parallel_loop3A_657 = arith.index_cast %parallel_loop3A_654 : i32 to index
      %parallel_loop3A_658 = tpu.vector_load %arg4[%parallel_loop3A_656, %parallel_loop3A_657] {strides = array<i32>} : memref<2x32768xf32, #tpu.memory_space<vmem>>, vector<16xf32>,
      %parallel_loop3A_659 = arith.cmpf olt, %parallel_loop3A_658, %parallel_loop3A_604 : vector<16xf32>
      %parallel_loop3A_660 = arith.minimumf %parallel_loop3A_604, %parallel_loop3A_658 : vector<16xf32>
      %parallel_loop3A_661 = arith.select %parallel_loop3A_659, %parallel_loop3A_617, %parallel_loop3A_612 : vector<16xi1>, vector<16xi32>
      %parallel_loop3A_662 = arith.constant 128 : i32
      %parallel_loop3A_663 = arith.muli %parallel_loop3A_600, %parallel_loop3A_662 : i32
      %parallel_loop3A_664 = arith.constant 64 : i32
      %parallel_loop3A_665 = arith.addi %parallel_loop3A_663, %parallel_loop3A_664 : i32
      %parallel_loop3A_666 = arith.constant 0 : i32
      %parallel_loop3A_667 = arith.index_cast %parallel_loop3A_666 : i32 to index
      %parallel_loop3A_668 = arith.index_cast %parallel_loop3A_665 : i32 to index
      %parallel_loop3A_669 = tpu.vector_load %arg4[%parallel_loop3A_667, %parallel_loop3A_668] {strides = array<i32>} : memref<2x32768xf32, #tpu.memory_space<vmem>>, vector<16xf32>,
      %parallel_loop3A_670 = arith.cmpf olt, %parallel_loop3A_669, %parallel_loop3A_605 : vector<16xf32>
      %parallel_loop3A_671 = arith.minimumf %parallel_loop3A_605, %parallel_loop3A_669 : vector<16xf32>
      %parallel_loop3A_672 = arith.select %parallel_loop3A_670, %parallel_loop3A_617, %parallel_loop3A_613 : vector<16xi1>, vector<16xi32>
      %parallel_loop3A_673 = arith.constant 128 : i32
      %parallel_loop3A_674 = arith.muli %parallel_loop3A_600, %parallel_loop3A_673 : i32
      %parallel_loop3A_675 = arith.constant 80 : i32
      %parallel_loop3A_676 = arith.addi %parallel_loop3A_674, %parallel_loop3A_675 : i32
      %parallel_loop3A_677 = arith.constant 0 : i32
      %parallel_loop3A_678 = arith.index_cast %parallel_loop3A_677 : i32 to index
      %parallel_loop3A_679 = arith.index_cast %parallel_loop3A_676 : i32 to index
      %parallel_loop3A_680 = tpu.vector_load %arg4[%parallel_loop3A_678, %parallel_loop3A_679] {strides = array<i32>} : memref<2x32768xf32, #tpu.memory_space<vmem>>, vector<16xf32>,
      %parallel_loop3A_681 = arith.cmpf olt, %parallel_loop3A_680, %parallel_loop3A_606 : vector<16xf32>
      %parallel_loop3A_682 = arith.minimumf %parallel_loop3A_606, %parallel_loop3A_680 : vector<16xf32>
      %parallel_loop3A_683 = arith.select %parallel_loop3A_681, %parallel_loop3A_617, %parallel_loop3A_614 : vector<16xi1>, vector<16xi32>
      %parallel_loop3A_684 = arith.constant 128 : i32
      %parallel_loop3A_685 = arith.muli %parallel_loop3A_600, %parallel_loop3A_684 : i32
      %parallel_loop3A_686 = arith.constant 96 : i32
      %parallel_loop3A_687 = arith.addi %parallel_loop3A_685, %parallel_loop3A_686 : i32
      %parallel_loop3A_688 = arith.constant 0 : i32
      %parallel_loop3A_689 = arith.index_cast %parallel_loop3A_688 : i32 to index
      %parallel_loop3A_690 = arith.index_cast %parallel_loop3A_687 : i32 to index
      %parallel_loop3A_691 = tpu.vector_load %arg4[%parallel_loop3A_689, %parallel_loop3A_690] {strides = array<i32>} : memref<2x32768xf32, #tpu.memory_space<vmem>>, vector<16xf32>,
      %parallel_loop3A_692 = arith.cmpf olt, %parallel_loop3A_691, %parallel_loop3A_607 : vector<16xf32>
      %parallel_loop3A_693 = arith.minimumf %parallel_loop3A_607, %parallel_loop3A_691 : vector<16xf32>
      %parallel_loop3A_694 = arith.select %parallel_loop3A_692, %parallel_loop3A_617, %parallel_loop3A_615 : vector<16xi1>, vector<16xi32>
      %parallel_loop3A_695 = arith.constant 128 : i32
      %parallel_loop3A_696 = arith.muli %parallel_loop3A_600, %parallel_loop3A_695 : i32
      %parallel_loop3A_697 = arith.constant 112 : i32
      %parallel_loop3A_698 = arith.addi %parallel_loop3A_696, %parallel_loop3A_697 : i32
      %parallel_loop3A_699 = arith.constant 0 : i32
      %parallel_loop3A_700 = arith.index_cast %parallel_loop3A_699 : i32 to index
      %parallel_loop3A_701 = arith.index_cast %parallel_loop3A_698 : i32 to index
      %parallel_loop3A_702 = tpu.vector_load %arg4[%parallel_loop3A_700, %parallel_loop3A_701] {strides = array<i32>} : memref<2x32768xf32, #tpu.memory_space<vmem>>, vector<16xf32>,
      %parallel_loop3A_703 = arith.cmpf olt, %parallel_loop3A_702, %parallel_loop3A_608 : vector<16xf32>
      %parallel_loop3A_704 = arith.minimumf %parallel_loop3A_608, %parallel_loop3A_702 : vector<16xf32>
      %parallel_loop3A_705 = arith.select %parallel_loop3A_703, %parallel_loop3A_617, %parallel_loop3A_616 : vector<16xi1>, vector<16xi32>
      scf.yield %parallel_loop3A_627, %parallel_loop3A_638, %parallel_loop3A_649, %parallel_loop3A_660, %parallel_loop3A_671, %parallel_loop3A_682, %parallel_loop3A_693, %parallel_loop3A_704, %parallel_loop3A_628, %parallel_loop3A_639, %parallel_loop3A_650, %parallel_loop3A_661, %parallel_loop3A_672, %parallel_loop3A_683, %parallel_loop3A_694, %parallel_loop3A_705 : vector<16xf32>, vector<16xf32>, vector<16xf32>, vector<16xf32>, vector<16xf32>, vector<16xf32>, vector<16xf32>, vector<16xf32>, vector<16xi32>, vector<16xi32>, vector<16xi32>, vector<16xi32>, vector<16xi32>, vector<16xi32>, vector<16xi32>, vector<16xi32>
    } {sc.loop_unroll_factor = 2 : i64, sc.parallel_access}
    %mul3A_349 = arith.constant 128 : i32
    %mul3A_350 = vector.broadcast %mul3A_349 : i32 to vector<16xi32>
    %mul3A_351 = arith.muli %parallel_loop3A_348#8, %mul3A_350 : vector<16xi32>
    %add3A_352 = arith.addi %mul3A_351, %iota3A : vector<16xi32>
    %mul3A_353 = arith.constant 128 : i32
    %mul3A_354 = vector.broadcast %mul3A_353 : i32 to vector<16xi32>
    %mul3A_355 = arith.muli %parallel_loop3A_348#9, %mul3A_354 : vector<16xi32>
    %add3A_356 = arith.constant 16 : i32
    %add3A_357 = vector.broadcast %add3A_356 : i32 to vector<16xi32>
    %add3A_358 = arith.addi %mul3A_355, %add3A_357 : vector<16xi32>
    %add3A_359 = arith.addi %add3A_358, %iota3A : vector<16xi32>
    %lt3A_360 = arith.cmpf olt, %parallel_loop3A_348#1, %parallel_loop3A_348#0 : vector<16xf32>
    %eq3A_361 = arith.cmpf oeq, %parallel_loop3A_348#1, %parallel_loop3A_348#0 : vector<16xf32>
    %lt3A_362 = arith.cmpi slt, %add3A_359, %add3A_352 : vector<16xi32>
    %and3A_363 = arith.andi %eq3A_361, %lt3A_362 : vector<16xi1>
    %or3A_364 = arith.ori %lt3A_360, %and3A_363 : vector<16xi1>
    %select_n3A_365 = arith.select %or3A_364, %parallel_loop3A_348#1, %parallel_loop3A_348#0 : vector<16xi1>, vector<16xf32>
    %select_n3A_366 = arith.select %or3A_364, %add3A_359, %add3A_352 : vector<16xi1>, vector<16xi32>
    %mul3A_367 = arith.constant 128 : i32
    %mul3A_368 = vector.broadcast %mul3A_367 : i32 to vector<16xi32>
    %mul3A_369 = arith.muli %parallel_loop3A_348#10, %mul3A_368 : vector<16xi32>
    %add3A_370 = arith.constant 32 : i32
    %add3A_371 = vector.broadcast %add3A_370 : i32 to vector<16xi32>
    %add3A_372 = arith.addi %mul3A_369, %add3A_371 : vector<16xi32>
    %add3A_373 = arith.addi %add3A_372, %iota3A : vector<16xi32>
    %lt3A_374 = arith.cmpf olt, %parallel_loop3A_348#2, %select_n3A_365 : vector<16xf32>
    %eq3A_375 = arith.cmpf oeq, %parallel_loop3A_348#2, %select_n3A_365 : vector<16xf32>
    %lt3A_376 = arith.cmpi slt, %add3A_373, %select_n3A_366 : vector<16xi32>
    %and3A_377 = arith.andi %eq3A_375, %lt3A_376 : vector<16xi1>
    %or3A_378 = arith.ori %lt3A_374, %and3A_377 : vector<16xi1>
    %select_n3A_379 = arith.select %or3A_378, %parallel_loop3A_348#2, %select_n3A_365 : vector<16xi1>, vector<16xf32>
    %select_n3A_380 = arith.select %or3A_378, %add3A_373, %select_n3A_366 : vector<16xi1>, vector<16xi32>
    %mul3A_381 = arith.constant 128 : i32
    %mul3A_382 = vector.broadcast %mul3A_381 : i32 to vector<16xi32>
    %mul3A_383 = arith.muli %parallel_loop3A_348#11, %mul3A_382 : vector<16xi32>
    %add3A_384 = arith.constant 48 : i32
    %add3A_385 = vector.broadcast %add3A_384 : i32 to vector<16xi32>
    %add3A_386 = arith.addi %mul3A_383, %add3A_385 : vector<16xi32>
    %add3A_387 = arith.addi %add3A_386, %iota3A : vector<16xi32>
    %lt3A_388 = arith.cmpf olt, %parallel_loop3A_348#3, %select_n3A_379 : vector<16xf32>
    %eq3A_389 = arith.cmpf oeq, %parallel_loop3A_348#3, %select_n3A_379 : vector<16xf32>
    %lt3A_390 = arith.cmpi slt, %add3A_387, %select_n3A_380 : vector<16xi32>
    %and3A_391 = arith.andi %eq3A_389, %lt3A_390 : vector<16xi1>
    %or3A_392 = arith.ori %lt3A_388, %and3A_391 : vector<16xi1>
    %select_n3A_393 = arith.select %or3A_392, %parallel_loop3A_348#3, %select_n3A_379 : vector<16xi1>, vector<16xf32>
    %select_n3A_394 = arith.select %or3A_392, %add3A_387, %select_n3A_380 : vector<16xi1>, vector<16xi32>
    %mul3A_395 = arith.constant 128 : i32
    %mul3A_396 = vector.broadcast %mul3A_395 : i32 to vector<16xi32>
    %mul3A_397 = arith.muli %parallel_loop3A_348#12, %mul3A_396 : vector<16xi32>
    %add3A_398 = arith.constant 64 : i32
    %add3A_399 = vector.broadcast %add3A_398 : i32 to vector<16xi32>
    %add3A_400 = arith.addi %mul3A_397, %add3A_399 : vector<16xi32>
    %add3A_401 = arith.addi %add3A_400, %iota3A : vector<16xi32>
    %lt3A_402 = arith.cmpf olt, %parallel_loop3A_348#4, %select_n3A_393 : vector<16xf32>
    %eq3A_403 = arith.cmpf oeq, %parallel_loop3A_348#4, %select_n3A_393 : vector<16xf32>
    %lt3A_404 = arith.cmpi slt, %add3A_401, %select_n3A_394 : vector<16xi32>
    %and3A_405 = arith.andi %eq3A_403, %lt3A_404 : vector<16xi1>
    %or3A_406 = arith.ori %lt3A_402, %and3A_405 : vector<16xi1>
    %select_n3A_407 = arith.select %or3A_406, %parallel_loop3A_348#4, %select_n3A_393 : vector<16xi1>, vector<16xf32>
    %select_n3A_408 = arith.select %or3A_406, %add3A_401, %select_n3A_394 : vector<16xi1>, vector<16xi32>
    %mul3A_409 = arith.constant 128 : i32
    %mul3A_410 = vector.broadcast %mul3A_409 : i32 to vector<16xi32>
    %mul3A_411 = arith.muli %parallel_loop3A_348#13, %mul3A_410 : vector<16xi32>
    %add3A_412 = arith.constant 80 : i32
    %add3A_413 = vector.broadcast %add3A_412 : i32 to vector<16xi32>
    %add3A_414 = arith.addi %mul3A_411, %add3A_413 : vector<16xi32>
    %add3A_415 = arith.addi %add3A_414, %iota3A : vector<16xi32>
    %lt3A_416 = arith.cmpf olt, %parallel_loop3A_348#5, %select_n3A_407 : vector<16xf32>
    %eq3A_417 = arith.cmpf oeq, %parallel_loop3A_348#5, %select_n3A_407 : vector<16xf32>
    %lt3A_418 = arith.cmpi slt, %add3A_415, %select_n3A_408 : vector<16xi32>
    %and3A_419 = arith.andi %eq3A_417, %lt3A_418 : vector<16xi1>
    %or3A_420 = arith.ori %lt3A_416, %and3A_419 : vector<16xi1>
    %select_n3A_421 = arith.select %or3A_420, %parallel_loop3A_348#5, %select_n3A_407 : vector<16xi1>, vector<16xf32>
    %select_n3A_422 = arith.select %or3A_420, %add3A_415, %select_n3A_408 : vector<16xi1>, vector<16xi32>
    %mul3A_423 = arith.constant 128 : i32
    %mul3A_424 = vector.broadcast %mul3A_423 : i32 to vector<16xi32>
    %mul3A_425 = arith.muli %parallel_loop3A_348#14, %mul3A_424 : vector<16xi32>
    %add3A_426 = arith.constant 96 : i32
    %add3A_427 = vector.broadcast %add3A_426 : i32 to vector<16xi32>
    %add3A_428 = arith.addi %mul3A_425, %add3A_427 : vector<16xi32>
    %add3A_429 = arith.addi %add3A_428, %iota3A : vector<16xi32>
    %lt3A_430 = arith.cmpf olt, %parallel_loop3A_348#6, %select_n3A_421 : vector<16xf32>
    %eq3A_431 = arith.cmpf oeq, %parallel_loop3A_348#6, %select_n3A_421 : vector<16xf32>
    %lt3A_432 = arith.cmpi slt, %add3A_429, %select_n3A_422 : vector<16xi32>
    %and3A_433 = arith.andi %eq3A_431, %lt3A_432 : vector<16xi1>
    %or3A_434 = arith.ori %lt3A_430, %and3A_433 : vector<16xi1>
    %select_n3A_435 = arith.select %or3A_434, %parallel_loop3A_348#6, %select_n3A_421 : vector<16xi1>, vector<16xf32>
    %select_n3A_436 = arith.select %or3A_434, %add3A_429, %select_n3A_422 : vector<16xi1>, vector<16xi32>
    %mul3A_437 = arith.constant 128 : i32
    %mul3A_438 = vector.broadcast %mul3A_437 : i32 to vector<16xi32>
    %mul3A_439 = arith.muli %parallel_loop3A_348#15, %mul3A_438 : vector<16xi32>
    %add3A_440 = arith.constant 112 : i32
    %add3A_441 = vector.broadcast %add3A_440 : i32 to vector<16xi32>
    %add3A_442 = arith.addi %mul3A_439, %add3A_441 : vector<16xi32>
    %add3A_443 = arith.addi %add3A_442, %iota3A : vector<16xi32>
    %lt3A_444 = arith.cmpf olt, %parallel_loop3A_348#7, %select_n3A_435 : vector<16xf32>
    %eq3A_445 = arith.cmpf oeq, %parallel_loop3A_348#7, %select_n3A_435 : vector<16xf32>
    %lt3A_446 = arith.cmpi slt, %add3A_443, %select_n3A_436 : vector<16xi32>
    %and3A_447 = arith.andi %eq3A_445, %lt3A_446 : vector<16xi1>
    %or3A_448 = arith.ori %lt3A_444, %and3A_447 : vector<16xi1>
    %select_n3A_449 = arith.select %or3A_448, %parallel_loop3A_348#7, %select_n3A_435 : vector<16xi1>, vector<16xf32>
    %select_n3A_450 = arith.select %or3A_448, %add3A_443, %select_n3A_436 : vector<16xi1>, vector<16xi32>
    %sort3A_451 = arith.constant dense<true> : vector<16xi1>
    %sort3A_452, %sort3A_453, %sort3A_454 = tpu.sort %select_n3A_450, %select_n3A_449 masked %sort3A_451 : (vector<16xi32>, vector<16xf32>, vector<16xi1>) -> (vector<16xi1>, vector<16xi32>, vector<16xf32>)
    %sort3A_455 = arith.constant dense<true> : vector<16xi1>
    %sort3A_456, %sort3A_457, %sort3A_458 = tpu.sort %sort3A_454, %sort3A_453 masked %sort3A_455 : (vector<16xf32>, vector<16xi32>, vector<16xi1>) -> (vector<16xi1>, vector<16xf32>, vector<16xi32>)
    %swap3A_459 = arith.constant 2 : i32
    %swap3A_460 = arith.index_cast %swap3A_459 : i32 to index
    %swap3A_461 = arith.constant 0 : index
    %swap3A_462 = tpu.vector_load %arg5[%swap3A_460, %swap3A_461] {strides = array<i32>} : memref<4x16xi32, #tpu.memory_space<vmem>>, vector<16xi32>,
    tpu.vector_store %arg5[%swap3A_460, %swap3A_461], %sort3A_458 {strides = array<i32>} : memref<4x16xi32, #tpu.memory_space<vmem>>, vector<16xi32>,
    %add3A_463 = arith.constant 3 : i32
    %add3A_464 = arith.addi %mul3A_2, %add3A_463 : i32
    %dma_wait3A_465 = arith.constant 1 : i32
    %dma_wait3A_466 = arith.constant 0 : i32
    %dma_wait3A_467 = tpu.memref_slice %arg4[%dma_wait3A_465, %dma_wait3A_466] : memref<2x32768xf32, #tpu.memory_space<vmem>> -> memref<1x32768xf32, #tpu.memory_space<vmem>>
    %dma_wait3A_468 = tpu.memref_squeeze %dma_wait3A_467 : memref<1x32768xf32, #tpu.memory_space<vmem>> -> memref<32768xf32, #tpu.memory_space<vmem>>
    %dma_wait3A_469 = arith.constant 0 : i32
    %dma_wait3A_470 = tpu.memref_slice %arg2[%add3A_464, %dma_wait3A_469] : memref<128x32768xf32, #tpu.memory_space<hbm>> -> memref<1x32768xf32, #tpu.memory_space<hbm>>
    %dma_wait3A_471 = tpu.memref_squeeze %dma_wait3A_470 : memref<1x32768xf32, #tpu.memory_space<hbm>> -> memref<32768xf32, #tpu.memory_space<hbm>>
    %dma_wait3A_472 = arith.constant 0 : i32
    %dma_wait3A_473 = tpu.memref_slice %arg4[%dma_wait3A_465, %dma_wait3A_472] : memref<2x32768xf32, #tpu.memory_space<vmem>> -> memref<1x32768xf32, #tpu.memory_space<vmem>>
    %dma_wait3A_474 = tpu.memref_squeeze %dma_wait3A_473 : memref<1x32768xf32, #tpu.memory_space<vmem>> -> memref<32768xf32, #tpu.memory_space<vmem>>
    %dma_wait3A_475 = arith.constant 0 : i32
    %dma_wait3A_476 = tpu.memref_slice %arg2[%add3A_464, %dma_wait3A_475] : memref<128x32768xf32, #tpu.memory_space<hbm>> -> memref<1x32768xf32, #tpu.memory_space<hbm>>
    %dma_wait3A_477 = tpu.memref_squeeze %dma_wait3A_476 : memref<1x32768xf32, #tpu.memory_space<hbm>> -> memref<32768xf32, #tpu.memory_space<hbm>>
    tpu.wait_dma2 semaphore(%arg7 : memref<!tpu.dma_semaphore, #tpu.memory_space<semaphore_mem>>) src(%dma_wait3A_477 : memref<32768xf32, #tpu.memory_space<hbm>>) dst(%dma_wait3A_474 : memref<32768xf32, #tpu.memory_space<vmem>>)
    %broadcast_in_dim3A_478 = arith.constant 0x7F800000 : f32
    %broadcast_in_dim3A_479 = vector.broadcast %broadcast_in_dim3A_478 : f32 to vector<16xf32>
    %broadcast_in_dim3A_480 = arith.constant 0 : i32
    %broadcast_in_dim3A_481 = vector.broadcast %broadcast_in_dim3A_480 : i32 to vector<16xi32>
    %parallel_loop3A_482 = arith.constant 0 : i32
    %parallel_loop3A_483 = arith.constant 256 : i32
    %parallel_loop3A_484 = arith.constant 1 : i32
    %parallel_loop3A_485:16 = scf.for %parallel_loop3A_600 = %parallel_loop3A_482 to %parallel_loop3A_483 step %parallel_loop3A_484 iter_args(%parallel_loop3A_601 = %broadcast_in_dim3A_479, %parallel_loop3A_602 = %broadcast_in_dim3A_479, %parallel_loop3A_603 = %broadcast_in_dim3A_479, %parallel_loop3A_604 = %broadcast_in_dim3A_479, %parallel_loop3A_605 = %broadcast_in_dim3A_479, %parallel_loop3A_606 = %broadcast_in_dim3A_479, %parallel_loop3A_607 = %broadcast_in_dim3A_479, %parallel_loop3A_608 = %broadcast_in_dim3A_479, %parallel_loop3A_609 = %broadcast_in_dim3A_481, %parallel_loop3A_610 = %broadcast_in_dim3A_481, %parallel_loop3A_611 = %broadcast_in_dim3A_481, %parallel_loop3A_612 = %broadcast_in_dim3A_481, %parallel_loop3A_613 = %broadcast_in_dim3A_481, %parallel_loop3A_614 = %broadcast_in_dim3A_481, %parallel_loop3A_615 = %broadcast_in_dim3A_481, %parallel_loop3A_616 = %broadcast_in_dim3A_481) -> (vector<16xf32>, vector<16xf32>, vector<16xf32>, vector<16xf32>, vector<16xf32>, vector<16xf32>, vector<16xf32>, vector<16xf32>, vector<16xi32>, vector<16xi32>, vector<16xi32>, vector<16xi32>, vector<16xi32>, vector<16xi32>, vector<16xi32>, vector<16xi32>)  : i32 {
      %parallel_loop3A_617 = vector.broadcast %parallel_loop3A_600 : i32 to vector<16xi32>
      %parallel_loop3A_618 = arith.constant 128 : i32
      %parallel_loop3A_619 = arith.muli %parallel_loop3A_600, %parallel_loop3A_618 : i32
      %parallel_loop3A_620 = arith.constant 0 : i32
      %parallel_loop3A_621 = arith.addi %parallel_loop3A_619, %parallel_loop3A_620 : i32
      %parallel_loop3A_622 = arith.constant 1 : i32
      %parallel_loop3A_623 = arith.index_cast %parallel_loop3A_622 : i32 to index
      %parallel_loop3A_624 = arith.index_cast %parallel_loop3A_621 : i32 to index
      %parallel_loop3A_625 = tpu.vector_load %arg4[%parallel_loop3A_623, %parallel_loop3A_624] {strides = array<i32>} : memref<2x32768xf32, #tpu.memory_space<vmem>>, vector<16xf32>,
      %parallel_loop3A_626 = arith.cmpf olt, %parallel_loop3A_625, %parallel_loop3A_601 : vector<16xf32>
      %parallel_loop3A_627 = arith.minimumf %parallel_loop3A_601, %parallel_loop3A_625 : vector<16xf32>
      %parallel_loop3A_628 = arith.select %parallel_loop3A_626, %parallel_loop3A_617, %parallel_loop3A_609 : vector<16xi1>, vector<16xi32>
      %parallel_loop3A_629 = arith.constant 128 : i32
      %parallel_loop3A_630 = arith.muli %parallel_loop3A_600, %parallel_loop3A_629 : i32
      %parallel_loop3A_631 = arith.constant 16 : i32
      %parallel_loop3A_632 = arith.addi %parallel_loop3A_630, %parallel_loop3A_631 : i32
      %parallel_loop3A_633 = arith.constant 1 : i32
      %parallel_loop3A_634 = arith.index_cast %parallel_loop3A_633 : i32 to index
      %parallel_loop3A_635 = arith.index_cast %parallel_loop3A_632 : i32 to index
      %parallel_loop3A_636 = tpu.vector_load %arg4[%parallel_loop3A_634, %parallel_loop3A_635] {strides = array<i32>} : memref<2x32768xf32, #tpu.memory_space<vmem>>, vector<16xf32>,
      %parallel_loop3A_637 = arith.cmpf olt, %parallel_loop3A_636, %parallel_loop3A_602 : vector<16xf32>
      %parallel_loop3A_638 = arith.minimumf %parallel_loop3A_602, %parallel_loop3A_636 : vector<16xf32>
      %parallel_loop3A_639 = arith.select %parallel_loop3A_637, %parallel_loop3A_617, %parallel_loop3A_610 : vector<16xi1>, vector<16xi32>
      %parallel_loop3A_640 = arith.constant 128 : i32
      %parallel_loop3A_641 = arith.muli %parallel_loop3A_600, %parallel_loop3A_640 : i32
      %parallel_loop3A_642 = arith.constant 32 : i32
      %parallel_loop3A_643 = arith.addi %parallel_loop3A_641, %parallel_loop3A_642 : i32
      %parallel_loop3A_644 = arith.constant 1 : i32
      %parallel_loop3A_645 = arith.index_cast %parallel_loop3A_644 : i32 to index
      %parallel_loop3A_646 = arith.index_cast %parallel_loop3A_643 : i32 to index
      %parallel_loop3A_647 = tpu.vector_load %arg4[%parallel_loop3A_645, %parallel_loop3A_646] {strides = array<i32>} : memref<2x32768xf32, #tpu.memory_space<vmem>>, vector<16xf32>,
      %parallel_loop3A_648 = arith.cmpf olt, %parallel_loop3A_647, %parallel_loop3A_603 : vector<16xf32>
      %parallel_loop3A_649 = arith.minimumf %parallel_loop3A_603, %parallel_loop3A_647 : vector<16xf32>
      %parallel_loop3A_650 = arith.select %parallel_loop3A_648, %parallel_loop3A_617, %parallel_loop3A_611 : vector<16xi1>, vector<16xi32>
      %parallel_loop3A_651 = arith.constant 128 : i32
      %parallel_loop3A_652 = arith.muli %parallel_loop3A_600, %parallel_loop3A_651 : i32
      %parallel_loop3A_653 = arith.constant 48 : i32
      %parallel_loop3A_654 = arith.addi %parallel_loop3A_652, %parallel_loop3A_653 : i32
      %parallel_loop3A_655 = arith.constant 1 : i32
      %parallel_loop3A_656 = arith.index_cast %parallel_loop3A_655 : i32 to index
      %parallel_loop3A_657 = arith.index_cast %parallel_loop3A_654 : i32 to index
      %parallel_loop3A_658 = tpu.vector_load %arg4[%parallel_loop3A_656, %parallel_loop3A_657] {strides = array<i32>} : memref<2x32768xf32, #tpu.memory_space<vmem>>, vector<16xf32>,
      %parallel_loop3A_659 = arith.cmpf olt, %parallel_loop3A_658, %parallel_loop3A_604 : vector<16xf32>
      %parallel_loop3A_660 = arith.minimumf %parallel_loop3A_604, %parallel_loop3A_658 : vector<16xf32>
      %parallel_loop3A_661 = arith.select %parallel_loop3A_659, %parallel_loop3A_617, %parallel_loop3A_612 : vector<16xi1>, vector<16xi32>
      %parallel_loop3A_662 = arith.constant 128 : i32
      %parallel_loop3A_663 = arith.muli %parallel_loop3A_600, %parallel_loop3A_662 : i32
      %parallel_loop3A_664 = arith.constant 64 : i32
      %parallel_loop3A_665 = arith.addi %parallel_loop3A_663, %parallel_loop3A_664 : i32
      %parallel_loop3A_666 = arith.constant 1 : i32
      %parallel_loop3A_667 = arith.index_cast %parallel_loop3A_666 : i32 to index
      %parallel_loop3A_668 = arith.index_cast %parallel_loop3A_665 : i32 to index
      %parallel_loop3A_669 = tpu.vector_load %arg4[%parallel_loop3A_667, %parallel_loop3A_668] {strides = array<i32>} : memref<2x32768xf32, #tpu.memory_space<vmem>>, vector<16xf32>,
      %parallel_loop3A_670 = arith.cmpf olt, %parallel_loop3A_669, %parallel_loop3A_605 : vector<16xf32>
      %parallel_loop3A_671 = arith.minimumf %parallel_loop3A_605, %parallel_loop3A_669 : vector<16xf32>
      %parallel_loop3A_672 = arith.select %parallel_loop3A_670, %parallel_loop3A_617, %parallel_loop3A_613 : vector<16xi1>, vector<16xi32>
      %parallel_loop3A_673 = arith.constant 128 : i32
      %parallel_loop3A_674 = arith.muli %parallel_loop3A_600, %parallel_loop3A_673 : i32
      %parallel_loop3A_675 = arith.constant 80 : i32
      %parallel_loop3A_676 = arith.addi %parallel_loop3A_674, %parallel_loop3A_675 : i32
      %parallel_loop3A_677 = arith.constant 1 : i32
      %parallel_loop3A_678 = arith.index_cast %parallel_loop3A_677 : i32 to index
      %parallel_loop3A_679 = arith.index_cast %parallel_loop3A_676 : i32 to index
      %parallel_loop3A_680 = tpu.vector_load %arg4[%parallel_loop3A_678, %parallel_loop3A_679] {strides = array<i32>} : memref<2x32768xf32, #tpu.memory_space<vmem>>, vector<16xf32>,
      %parallel_loop3A_681 = arith.cmpf olt, %parallel_loop3A_680, %parallel_loop3A_606 : vector<16xf32>
      %parallel_loop3A_682 = arith.minimumf %parallel_loop3A_606, %parallel_loop3A_680 : vector<16xf32>
      %parallel_loop3A_683 = arith.select %parallel_loop3A_681, %parallel_loop3A_617, %parallel_loop3A_614 : vector<16xi1>, vector<16xi32>
      %parallel_loop3A_684 = arith.constant 128 : i32
      %parallel_loop3A_685 = arith.muli %parallel_loop3A_600, %parallel_loop3A_684 : i32
      %parallel_loop3A_686 = arith.constant 96 : i32
      %parallel_loop3A_687 = arith.addi %parallel_loop3A_685, %parallel_loop3A_686 : i32
      %parallel_loop3A_688 = arith.constant 1 : i32
      %parallel_loop3A_689 = arith.index_cast %parallel_loop3A_688 : i32 to index
      %parallel_loop3A_690 = arith.index_cast %parallel_loop3A_687 : i32 to index
      %parallel_loop3A_691 = tpu.vector_load %arg4[%parallel_loop3A_689, %parallel_loop3A_690] {strides = array<i32>} : memref<2x32768xf32, #tpu.memory_space<vmem>>, vector<16xf32>,
      %parallel_loop3A_692 = arith.cmpf olt, %parallel_loop3A_691, %parallel_loop3A_607 : vector<16xf32>
      %parallel_loop3A_693 = arith.minimumf %parallel_loop3A_607, %parallel_loop3A_691 : vector<16xf32>
      %parallel_loop3A_694 = arith.select %parallel_loop3A_692, %parallel_loop3A_617, %parallel_loop3A_615 : vector<16xi1>, vector<16xi32>
      %parallel_loop3A_695 = arith.constant 128 : i32
      %parallel_loop3A_696 = arith.muli %parallel_loop3A_600, %parallel_loop3A_695 : i32
      %parallel_loop3A_697 = arith.constant 112 : i32
      %parallel_loop3A_698 = arith.addi %parallel_loop3A_696, %parallel_loop3A_697 : i32
      %parallel_loop3A_699 = arith.constant 1 : i32
      %parallel_loop3A_700 = arith.index_cast %parallel_loop3A_699 : i32 to index
      %parallel_loop3A_701 = arith.index_cast %parallel_loop3A_698 : i32 to index
      %parallel_loop3A_702 = tpu.vector_load %arg4[%parallel_loop3A_700, %parallel_loop3A_701] {strides = array<i32>} : memref<2x32768xf32, #tpu.memory_space<vmem>>, vector<16xf32>,
      %parallel_loop3A_703 = arith.cmpf olt, %parallel_loop3A_702, %parallel_loop3A_608 : vector<16xf32>
      %parallel_loop3A_704 = arith.minimumf %parallel_loop3A_608, %parallel_loop3A_702 : vector<16xf32>
      %parallel_loop3A_705 = arith.select %parallel_loop3A_703, %parallel_loop3A_617, %parallel_loop3A_616 : vector<16xi1>, vector<16xi32>
      scf.yield %parallel_loop3A_627, %parallel_loop3A_638, %parallel_loop3A_649, %parallel_loop3A_660, %parallel_loop3A_671, %parallel_loop3A_682, %parallel_loop3A_693, %parallel_loop3A_704, %parallel_loop3A_628, %parallel_loop3A_639, %parallel_loop3A_650, %parallel_loop3A_661, %parallel_loop3A_672, %parallel_loop3A_683, %parallel_loop3A_694, %parallel_loop3A_705 : vector<16xf32>, vector<16xf32>, vector<16xf32>, vector<16xf32>, vector<16xf32>, vector<16xf32>, vector<16xf32>, vector<16xf32>, vector<16xi32>, vector<16xi32>, vector<16xi32>, vector<16xi32>, vector<16xi32>, vector<16xi32>, vector<16xi32>, vector<16xi32>
    } {sc.loop_unroll_factor = 2 : i64, sc.parallel_access}
    %mul3A_486 = arith.constant 128 : i32
    %mul3A_487 = vector.broadcast %mul3A_486 : i32 to vector<16xi32>
    %mul3A_488 = arith.muli %parallel_loop3A_485#8, %mul3A_487 : vector<16xi32>
    %add3A_489 = arith.addi %mul3A_488, %iota3A : vector<16xi32>
    %mul3A_490 = arith.constant 128 : i32
    %mul3A_491 = vector.broadcast %mul3A_490 : i32 to vector<16xi32>
    %mul3A_492 = arith.muli %parallel_loop3A_485#9, %mul3A_491 : vector<16xi32>
    %add3A_493 = arith.constant 16 : i32
    %add3A_494 = vector.broadcast %add3A_493 : i32 to vector<16xi32>
    %add3A_495 = arith.addi %mul3A_492, %add3A_494 : vector<16xi32>
    %add3A_496 = arith.addi %add3A_495, %iota3A : vector<16xi32>
    %lt3A_497 = arith.cmpf olt, %parallel_loop3A_485#1, %parallel_loop3A_485#0 : vector<16xf32>
    %eq3A_498 = arith.cmpf oeq, %parallel_loop3A_485#1, %parallel_loop3A_485#0 : vector<16xf32>
    %lt3A_499 = arith.cmpi slt, %add3A_496, %add3A_489 : vector<16xi32>
    %and3A_500 = arith.andi %eq3A_498, %lt3A_499 : vector<16xi1>
    %or3A_501 = arith.ori %lt3A_497, %and3A_500 : vector<16xi1>
    %select_n3A_502 = arith.select %or3A_501, %parallel_loop3A_485#1, %parallel_loop3A_485#0 : vector<16xi1>, vector<16xf32>
    %select_n3A_503 = arith.select %or3A_501, %add3A_496, %add3A_489 : vector<16xi1>, vector<16xi32>
    %mul3A_504 = arith.constant 128 : i32
    %mul3A_505 = vector.broadcast %mul3A_504 : i32 to vector<16xi32>
    %mul3A_506 = arith.muli %parallel_loop3A_485#10, %mul3A_505 : vector<16xi32>
    %add3A_507 = arith.constant 32 : i32
    %add3A_508 = vector.broadcast %add3A_507 : i32 to vector<16xi32>
    %add3A_509 = arith.addi %mul3A_506, %add3A_508 : vector<16xi32>
    %add3A_510 = arith.addi %add3A_509, %iota3A : vector<16xi32>
    %lt3A_511 = arith.cmpf olt, %parallel_loop3A_485#2, %select_n3A_502 : vector<16xf32>
    %eq3A_512 = arith.cmpf oeq, %parallel_loop3A_485#2, %select_n3A_502 : vector<16xf32>
    %lt3A_513 = arith.cmpi slt, %add3A_510, %select_n3A_503 : vector<16xi32>
    %and3A_514 = arith.andi %eq3A_512, %lt3A_513 : vector<16xi1>
    %or3A_515 = arith.ori %lt3A_511, %and3A_514 : vector<16xi1>
    %select_n3A_516 = arith.select %or3A_515, %parallel_loop3A_485#2, %select_n3A_502 : vector<16xi1>, vector<16xf32>
    %select_n3A_517 = arith.select %or3A_515, %add3A_510, %select_n3A_503 : vector<16xi1>, vector<16xi32>
    %mul3A_518 = arith.constant 128 : i32
    %mul3A_519 = vector.broadcast %mul3A_518 : i32 to vector<16xi32>
    %mul3A_520 = arith.muli %parallel_loop3A_485#11, %mul3A_519 : vector<16xi32>
    %add3A_521 = arith.constant 48 : i32
    %add3A_522 = vector.broadcast %add3A_521 : i32 to vector<16xi32>
    %add3A_523 = arith.addi %mul3A_520, %add3A_522 : vector<16xi32>
    %add3A_524 = arith.addi %add3A_523, %iota3A : vector<16xi32>
    %lt3A_525 = arith.cmpf olt, %parallel_loop3A_485#3, %select_n3A_516 : vector<16xf32>
    %eq3A_526 = arith.cmpf oeq, %parallel_loop3A_485#3, %select_n3A_516 : vector<16xf32>
    %lt3A_527 = arith.cmpi slt, %add3A_524, %select_n3A_517 : vector<16xi32>
    %and3A_528 = arith.andi %eq3A_526, %lt3A_527 : vector<16xi1>
    %or3A_529 = arith.ori %lt3A_525, %and3A_528 : vector<16xi1>
    %select_n3A_530 = arith.select %or3A_529, %parallel_loop3A_485#3, %select_n3A_516 : vector<16xi1>, vector<16xf32>
    %select_n3A_531 = arith.select %or3A_529, %add3A_524, %select_n3A_517 : vector<16xi1>, vector<16xi32>
    %mul3A_532 = arith.constant 128 : i32
    %mul3A_533 = vector.broadcast %mul3A_532 : i32 to vector<16xi32>
    %mul3A_534 = arith.muli %parallel_loop3A_485#12, %mul3A_533 : vector<16xi32>
    %add3A_535 = arith.constant 64 : i32
    %add3A_536 = vector.broadcast %add3A_535 : i32 to vector<16xi32>
    %add3A_537 = arith.addi %mul3A_534, %add3A_536 : vector<16xi32>
    %add3A_538 = arith.addi %add3A_537, %iota3A : vector<16xi32>
    %lt3A_539 = arith.cmpf olt, %parallel_loop3A_485#4, %select_n3A_530 : vector<16xf32>
    %eq3A_540 = arith.cmpf oeq, %parallel_loop3A_485#4, %select_n3A_530 : vector<16xf32>
    %lt3A_541 = arith.cmpi slt, %add3A_538, %select_n3A_531 : vector<16xi32>
    %and3A_542 = arith.andi %eq3A_540, %lt3A_541 : vector<16xi1>
    %or3A_543 = arith.ori %lt3A_539, %and3A_542 : vector<16xi1>
    %select_n3A_544 = arith.select %or3A_543, %parallel_loop3A_485#4, %select_n3A_530 : vector<16xi1>, vector<16xf32>
    %select_n3A_545 = arith.select %or3A_543, %add3A_538, %select_n3A_531 : vector<16xi1>, vector<16xi32>
    %mul3A_546 = arith.constant 128 : i32
    %mul3A_547 = vector.broadcast %mul3A_546 : i32 to vector<16xi32>
    %mul3A_548 = arith.muli %parallel_loop3A_485#13, %mul3A_547 : vector<16xi32>
    %add3A_549 = arith.constant 80 : i32
    %add3A_550 = vector.broadcast %add3A_549 : i32 to vector<16xi32>
    %add3A_551 = arith.addi %mul3A_548, %add3A_550 : vector<16xi32>
    %add3A_552 = arith.addi %add3A_551, %iota3A : vector<16xi32>
    %lt3A_553 = arith.cmpf olt, %parallel_loop3A_485#5, %select_n3A_544 : vector<16xf32>
    %eq3A_554 = arith.cmpf oeq, %parallel_loop3A_485#5, %select_n3A_544 : vector<16xf32>
    %lt3A_555 = arith.cmpi slt, %add3A_552, %select_n3A_545 : vector<16xi32>
    %and3A_556 = arith.andi %eq3A_554, %lt3A_555 : vector<16xi1>
    %or3A_557 = arith.ori %lt3A_553, %and3A_556 : vector<16xi1>
    %select_n3A_558 = arith.select %or3A_557, %parallel_loop3A_485#5, %select_n3A_544 : vector<16xi1>, vector<16xf32>
    %select_n3A_559 = arith.select %or3A_557, %add3A_552, %select_n3A_545 : vector<16xi1>, vector<16xi32>
    %mul3A_560 = arith.constant 128 : i32
    %mul3A_561 = vector.broadcast %mul3A_560 : i32 to vector<16xi32>
    %mul3A_562 = arith.muli %parallel_loop3A_485#14, %mul3A_561 : vector<16xi32>
    %add3A_563 = arith.constant 96 : i32
    %add3A_564 = vector.broadcast %add3A_563 : i32 to vector<16xi32>
    %add3A_565 = arith.addi %mul3A_562, %add3A_564 : vector<16xi32>
    %add3A_566 = arith.addi %add3A_565, %iota3A : vector<16xi32>
    %lt3A_567 = arith.cmpf olt, %parallel_loop3A_485#6, %select_n3A_558 : vector<16xf32>
    %eq3A_568 = arith.cmpf oeq, %parallel_loop3A_485#6, %select_n3A_558 : vector<16xf32>
    %lt3A_569 = arith.cmpi slt, %add3A_566, %select_n3A_559 : vector<16xi32>
    %and3A_570 = arith.andi %eq3A_568, %lt3A_569 : vector<16xi1>
    %or3A_571 = arith.ori %lt3A_567, %and3A_570 : vector<16xi1>
    %select_n3A_572 = arith.select %or3A_571, %parallel_loop3A_485#6, %select_n3A_558 : vector<16xi1>, vector<16xf32>
    %select_n3A_573 = arith.select %or3A_571, %add3A_566, %select_n3A_559 : vector<16xi1>, vector<16xi32>
    %mul3A_574 = arith.constant 128 : i32
    %mul3A_575 = vector.broadcast %mul3A_574 : i32 to vector<16xi32>
    %mul3A_576 = arith.muli %parallel_loop3A_485#15, %mul3A_575 : vector<16xi32>
    %add3A_577 = arith.constant 112 : i32
    %add3A_578 = vector.broadcast %add3A_577 : i32 to vector<16xi32>
    %add3A_579 = arith.addi %mul3A_576, %add3A_578 : vector<16xi32>
    %add3A_580 = arith.addi %add3A_579, %iota3A : vector<16xi32>
    %lt3A_581 = arith.cmpf olt, %parallel_loop3A_485#7, %select_n3A_572 : vector<16xf32>
    %eq3A_582 = arith.cmpf oeq, %parallel_loop3A_485#7, %select_n3A_572 : vector<16xf32>
    %lt3A_583 = arith.cmpi slt, %add3A_580, %select_n3A_573 : vector<16xi32>
    %and3A_584 = arith.andi %eq3A_582, %lt3A_583 : vector<16xi1>
    %or3A_585 = arith.ori %lt3A_581, %and3A_584 : vector<16xi1>
    %select_n3A_586 = arith.select %or3A_585, %parallel_loop3A_485#7, %select_n3A_572 : vector<16xi1>, vector<16xf32>
    %select_n3A_587 = arith.select %or3A_585, %add3A_580, %select_n3A_573 : vector<16xi1>, vector<16xi32>
    %sort3A_588 = arith.constant dense<true> : vector<16xi1>
    %sort3A_589, %sort3A_590, %sort3A_591 = tpu.sort %select_n3A_587, %select_n3A_586 masked %sort3A_588 : (vector<16xi32>, vector<16xf32>, vector<16xi1>) -> (vector<16xi1>, vector<16xi32>, vector<16xf32>)
    %sort3A_592 = arith.constant dense<true> : vector<16xi1>
    %sort3A_593, %sort3A_594, %sort3A_595 = tpu.sort %sort3A_591, %sort3A_590 masked %sort3A_592 : (vector<16xf32>, vector<16xi32>, vector<16xi1>) -> (vector<16xi1>, vector<16xf32>, vector<16xi32>)
    %swap3A_596 = arith.constant 3 : i32
    %swap3A_597 = arith.index_cast %swap3A_596 : i32 to index
    %swap3A_598 = arith.constant 0 : index
    %swap3A_599 = tpu.vector_load %arg5[%swap3A_597, %swap3A_598] {strides = array<i32>} : memref<4x16xi32, #tpu.memory_space<vmem>>, vector<16xi32>,
    tpu.vector_store %arg5[%swap3A_597, %swap3A_598], %sort3A_595 {strides = array<i32>} : memref<4x16xi32, #tpu.memory_space<vmem>>, vector<16xi32>,
    "tpu.region"() ({
      %run_scoped3A = tpu.sem_alloc : memref<!tpu.dma_semaphore, #tpu.memory_space<semaphore_mem>>
      %dma_start3A_600 = arith.constant 0 : i32
      %dma_start3A_601 = arith.constant 0 : i32
      %dma_start3A_602 = tpu.memref_slice %arg3[%add3A, %dma_start3A_600, %dma_start3A_601] : memref<32x4x16xi32, #tpu.memory_space<hbm>> -> memref<1x4x16xi32, #tpu.memory_space<hbm>>
      %dma_start3A_603 = tpu.memref_squeeze %dma_start3A_602 : memref<1x4x16xi32, #tpu.memory_space<hbm>> -> memref<4x16xi32, #tpu.memory_space<hbm>>
      %dma_start3A_604 = arith.constant 0 : i32
      %dma_start3A_605 = arith.constant 0 : i32
      %dma_start3A_606 = tpu.memref_slice %arg3[%add3A, %dma_start3A_604, %dma_start3A_605] : memref<32x4x16xi32, #tpu.memory_space<hbm>> -> memref<1x4x16xi32, #tpu.memory_space<hbm>>
      %dma_start3A_607 = tpu.memref_squeeze %dma_start3A_606 : memref<1x4x16xi32, #tpu.memory_space<hbm>> -> memref<4x16xi32, #tpu.memory_space<hbm>>
      tpu.enqueue_dma source(%arg5 : memref<4x16xi32, #tpu.memory_space<vmem>>) target(%dma_start3A_607 : memref<4x16xi32, #tpu.memory_space<hbm>>) target_semaphore(%run_scoped3A : memref<!tpu.dma_semaphore, #tpu.memory_space<semaphore_mem>>)
      %dma_wait3A_608 = arith.constant 0 : i32
      %dma_wait3A_609 = arith.constant 0 : i32
      %dma_wait3A_610 = tpu.memref_slice %arg3[%add3A, %dma_wait3A_608, %dma_wait3A_609] : memref<32x4x16xi32, #tpu.memory_space<hbm>> -> memref<1x4x16xi32, #tpu.memory_space<hbm>>
      %dma_wait3A_611 = tpu.memref_squeeze %dma_wait3A_610 : memref<1x4x16xi32, #tpu.memory_space<hbm>> -> memref<4x16xi32, #tpu.memory_space<hbm>>
      %dma_wait3A_612 = arith.constant 0 : i32
      %dma_wait3A_613 = arith.constant 0 : i32
      %dma_wait3A_614 = tpu.memref_slice %arg3[%add3A, %dma_wait3A_612, %dma_wait3A_613] : memref<32x4x16xi32, #tpu.memory_space<hbm>> -> memref<1x4x16xi32, #tpu.memory_space<hbm>>
      %dma_wait3A_615 = tpu.memref_squeeze %dma_wait3A_614 : memref<1x4x16xi32, #tpu.memory_space<hbm>> -> memref<4x16xi32, #tpu.memory_space<hbm>>
      tpu.wait_dma2 semaphore(%run_scoped3A : memref<!tpu.dma_semaphore, #tpu.memory_space<semaphore_mem>>) src(%arg5 : memref<4x16xi32, #tpu.memory_space<vmem>>) dst(%dma_wait3A_615 : memref<4x16xi32, #tpu.memory_space<hbm>>)
      tpu.yield
    }) : () -> ()
    return
  }
}

</mosaic_0001>

<sc_bundles>
// kernel: kernel.3.cloned.1.call-start
scs
__scs_entry_jumppad:
0x0: {  	(pc) =	sbr.rel $0x88, $3  }
0x1: {  	(tag) =	ssettag $0x0;
	lr =	simm.s32 $0x1  }
0x2: {  	[smem:$0x3FA0] =	sst lr;
	_ =	strace $0xD0000000  }
0x3: {  	_ = 	snop  }
0x4: {  	_ = 	snop  }
0x5: {  	_ = 	snop  }
0x6: {  	_ = 	snop  }
0x7: {  	_ = 	snop  }
__scs_overlays_trampoline_lowered:
0x8: {  	[smem:$0x3FAF] =	sst s0  }
0x9: {  	[smem:$0x3FB0] =	sst s1  }
0xa: {  	[smem:$0x3FB1] =	sst s2  }
0xb: {  	[smem:$0x3FB2] =	sst s3  }
0xc: {  	[smem:$0x3FB3] =	sst s4  }
0xd: {  	[smem:$0x3FB4] =	sst s5  }
0xe: {  	[smem:$0x3FB5] =	sst s6  }
0xf: {  	[smem:$0x3FB6] =	sst s7  }
0x10: {  	[smem:$0x3FB7] =	sst s8  }
0x11: {  	[smem:$0x3FB8] =	sst s9;
	s0 =	simm.s32 @!p0 $0x0  }
0x12: {  	s1 =	sld [smem:$0x3F9E];
	s0 =	simm.s32 @p0 $0x1  }
0x13: {  	[smem:$0x3FB9] =	sst s0;
	s0 =	simm.s32 @!p1 $0x0  }
0x14: {  	s2 =	sld [smem:$0x3F9D];
	s0 =	simm.s32 @p1 $0x1  }
0x15: {  	[smem:$0x3FBA] =	sst s0;
	s0 =	simm.s32 @!p2 $0x0  }
0x16: {  	s3 =	sld [smem:$0x3FDB];
	s0 =	simm.s32 @p2 $0x1  }
0x17: {  	s4 =	simm.s32 $0x1BF5;
	[smem:$0x3FBC] =	sst s0  }
0x18: {  	s0 =	sld [smem:$0x3F9F];
	_ =	swait.ge [sflag:s4], $0x0  }
0x19: {  	s7 =	sld [smem:$0x3FA0]  }
0x1a: {  	s8 =	sadd.s32 $0xFFFFE003, lr  }
0x1b: {  	s9 =	sadd.s32 $0xFFFFFEF7, lr;
	s5 =	simm.s32 $0xFFFFFFFF;
	p2 =	slt.u32 s8, $0xFFFFF086  }
0x1c: {  	p1 =	slt.u32 s9, $0xF7A;
	s5 =	simm.s32 @!p2 $0x0  }
0x1d: {  	s5 =	simm.s32 @p1 $0x1;
	p0 =	seq.s32 s7, s2  }
0x1e: {  	s7 =	smul.u32 @!p0 $0xF7A, s2;
	p2 =	seq.s32 @!p0 s5, $0x0  }
0x1f: {  	s9 =	smul.u32 $0xF7A, s1;
	s8 =	simm.s32 @!p0 $0x1BF5;
	p2 =	por !p2, p0  }
0x20: {  	[sflag:s8] =	ssyncset.s32 @!p0 $0xFFFFF086;
	s6 =	sadd.s32 @!p0 s3, s7;
	s7 =	simm.s32 @!p0 $0x108  }
0x21: {  	s3 =	sadd.s32 s3, s9;
	s6 =	sadd.s32 @!p0 $0x88, s6;
	s7 =	simm.s32 @p2 $0x1082  }
0x22: {  	[simem:s7], [sflag:s8] =	dma.local @!p0 [hbm:s6], $0xF7A  }
0x23: {  	s9 =	sor.u32 $0xD0000000, s2;
	s6 =	simm.s32 $0x108;
	_ =	swait.ge @!p0 [sflag:s8], $0x0  }
0x24: {  	s3 =	sadd.s32 $0x88, s3;
	s6 =	simm.s32 @!p1 $0x1082;
	[sflag:s4] =	ssyncset.s32 $0xFFFFF086  }
0x25: {  	[simem:s6], [sflag:s4] =	dma.local [hbm:s3], $0xF7A  }
0x26: {  	[smem:$0x3FA0] =	sst s1;
	(tag) =	ssettag s2;
	_ =	strace s9  }
0x27: {  	s1 =	sld [smem:$0x3FB0]  }
0x28: {  	s2 =	sld [smem:$0x3FB1]  }
0x29: {  	s4 =	sld [smem:$0x3FB3]  }
0x2a: {  	p0 =	seq.s32 s5, $0x0;
	s5 =	sld [smem:$0x3FB4]  }
0x2b: {  	s6 =	sld [smem:$0x3FB5]  }
0x2c: {  	s7 =	sld [smem:$0x3FB6]  }
0x2d: {  	s3 =	simm.s32 $0x108;
	s8 =	sld [smem:$0x3FB7]  }
0x2e: {  	s3 =	simm.s32 @!p0 $0x1082;
	s9 =	sld [smem:$0x3FB8]  }
0x2f: {  	lr =	sadd.s32 s0, s3;
	s0 =	sld [smem:$0x3FAF]  }
0x30: {  	s3 =	sld [smem:$0x3FB2]  }
0x31: {  	[smem:$0x3FBB] =	sst s10  }
0x32: {  	s10 =	sld [smem:$0x3FB9];
	_ =	sdelay $0x3  }
0x33: {  	p0 =	seq.s32 s10, $0x1;
	s10 =	sld [smem:$0x3FBB];
	_ =	sdelay $0x3  }
0x34: {  	[smem:$0x3FBB] =	sst s10  }
0x35: {  	s10 =	sld [smem:$0x3FBA];
	_ =	sdelay $0x3  }
0x36: {  	p1 =	seq.s32 s10, $0x1;
	s10 =	sld [smem:$0x3FBB];
	_ =	sdelay $0x3  }
0x37: {  	[smem:$0x3FBB] =	sst s10  }
0x38: {  	s10 =	sld [smem:$0x3FBC]  }
0x39: {  	_ = 	snop;
	(pc) =	sbr.ind lr, $3  }
0x3a: {  	_ = 	snop  }
0x3b: {  	_ = 	snop  }
0x3c: {  	p2 =	seq.s32 s10, $0x1;
	s10 =	sld [smem:$0x3FBB]  }
0x3d: {  	_ =	shalt  }
0x3e: {  	_ =	shalt  }
0x3f: {  	_ =	shalt  }
0x40: {  	_ =	shalt  }
0x41: {  	_ =	shalt  }
0x42: {  	_ =	shalt  }
0x43: {  	_ =	shalt  }
0x44: {  	_ =	shalt  }
0x45: {  	_ =	shalt  }
0x46: {  	_ =	shalt  }
0x47: {  	_ =	shalt  }
0x48: {  	_ =	shalt  }
0x49: {  	_ =	shalt  }
0x4a: {  	_ =	shalt  }
0x4b: {  	_ =	shalt  }
0x4c: {  	_ =	shalt  }
0x4d: {  	_ =	shalt  }
0x4e: {  	_ =	shalt  }
0x4f: {  	_ =	shalt  }
0x50: {  	_ =	shalt  }
0x51: {  	_ =	shalt  }
0x52: {  	_ =	shalt  }
0x53: {  	_ =	shalt  }
0x54: {  	_ =	shalt  }
0x55: {  	_ =	shalt  }
0x56: {  	_ =	shalt  }
0x57: {  	_ =	shalt  }
0x58: {  	_ =	shalt  }
0x59: {  	_ =	shalt  }
0x5a: {  	_ =	shalt  }
0x5b: {  	_ =	shalt  }
0x5c: {  	_ =	shalt  }
0x5d: {  	_ =	shalt  }
0x5e: {  	_ =	shalt  }
0x5f: {  	_ =	shalt  }
0x60: {  	_ =	shalt  }
0x61: {  	_ =	shalt  }
0x62: {  	_ =	shalt  }
0x63: {  	_ =	shalt  }
0x64: {  	_ =	shalt  }
0x65: {  	_ =	shalt  }
0x66: {  	_ =	shalt  }
0x67: {  	_ =	shalt  }
0x68: {  	_ =	shalt  }
0x69: {  	_ =	shalt  }
0x6a: {  	_ =	shalt  }
0x6b: {  	_ =	shalt  }
0x6c: {  	_ =	shalt  }
0x6d: {  	_ =	shalt  }
0x6e: {  	_ =	shalt  }
0x6f: {  	_ =	shalt  }
0x70: {  	_ =	shalt  }
0x71: {  	_ =	shalt  }
0x72: {  	_ =	shalt  }
0x73: {  	_ =	shalt  }
0x74: {  	_ =	shalt  }
0x75: {  	_ =	shalt  }
0x76: {  	_ =	shalt  }
0x77: {  	_ =	shalt  }
0x78: {  	_ =	shalt  }
0x79: {  	_ =	shalt  }
0x7a: {  	_ =	shalt  }
0x7b: {  	_ =	shalt  }
0x7c: {  	_ =	shalt  }
0x7d: {  	_ =	shalt  }
0x7e: {  	_ =	shalt  }
0x7f: {  	_ =	shalt  }
0x80: {  	_ =	shalt  }
0x81: {  	_ =	shalt  }
0x82: {  	_ =	shalt  }
0x83: {  	_ =	shalt  }
0x84: {  	_ =	shalt  }
0x85: {  	_ =	shalt  }
0x86: {  	_ =	shalt  }
0x87: {  	_ =	shalt  }
.Lfunc_end0:
.L_simem_size_0:
called_computation_lowered:
.L_overlay_start_0:
0x88: {  	s2 =	sld [smem:$0x3FD9]  }
0x89: {  	s3 =	sld [smem:$0x3FFE];
	_ =	sdelay $0x1  }
0x8a: {  	s1 =	srdreg.scid  }
0x8b: {  	s0 =	sand.u32 $0x1, s1  }
0x8c: {  	s17 =	sshll.u32 s0, $0xA;
	s2 =	sadd.s32 s3, s2  }
0x8d: {  	s2 =	sadd.s32 s2, s17  }
0x8e: {  	[smem:$0x3FC7] =	sst s2  }
0x8f: {  	_ = 	snop  }
0x90: {  	s2 =	sld [smem:$0x3FC9];
	(tm) =	ssettm $0x1  }
0x91: {  	s18 =	sld [smem:$0x3FFB];
	_ =	sdelay $0x3  }
0x92: {  	_ =	strace s18  }
0x93: {  	s3 =	sld [smem:$0x3FFC];
	_ =	sdelay $0x3  }
0x94: {  	_ =	strace s3  }
0x95: {  	s3 =	sld [smem:$0x3FFD];
	_ =	sdelay $0x3  }
0x96: {  	_ =	strace s3  }
0x97: {  	_ =	strace $0x8FFFFFFF  }
0x98: {  	s19 =	sld [smem:$0x3FDB];
	_ =	sdelay $0x1  }
0x99: {  	s4 =	simm.s32 $_scs_section_size  }
0x9a: {  	s5 =	simm.s32 $_size__tile_overlayer_lowered;
	s6 =	simm.s32 $_tile_overlayer_lowered  }
0x9b: {  	s22 =	simm.s32 $0x1BFF;
	s21 =	sshll.u32 s6, $0x1;
	s3 =	sadd.s32 s4, s19  }
0x9c: {  	s7 =	simm.s32 $0x0;
	s20 =	sshll.u32 s5, $0x1;
	s5 =	sadd.s32 s21, s3  }
0x9d: {  	[timem:s7], [sflag:s22] =	dma.local [hbm:s5], s20  }
0x9e: {  	_ =	swait.ge [sflag:s22], s20  }
0x9f: {  	s4 =	ssub.s32 $0x0, s20;
	[sflag:s22] =	ssyncset.done $0x0  }
0xa0: {  	[sflag:s22] =	ssyncadd.s32 s4;
	_ =	sdelay $0x1  }
0xa1: {  	s23 =	simm.s32 $0x1B8B  }
0xa2: {  	_ =	swait.ge [sflag:s23], $0x1  }
0xa3: {  	[sflag:s23] =	ssyncset.done $0x0  }
0xa4: {  	s25 =	simm.s32 $0x1B8E;
	s24 =	sld [smem:$0x3FFE];
	[sflag:s23] =	ssyncadd.s32 $0xFFFFFFFF  }
0xa5: {  	s26 =	simm.s32 $execute0_lowered;
	[smem:$0x3FD2] =	sst s25  }
0xa6: {  	s5 =	sshll.u32 s26, $0x1;
	_ =	strace $0x80000046;
	[dreg:$0x1] =	wrdreg $0xFFFFFFFF  }
0xa7: {  	s28 =	simm.s32 $_size_execute0_lowered;
	s3 =	sadd.s32 s3, s5;
	[dreg:$0x0] =	wrdreg $0x0  }
0xa8: {  	s5 =	sshll.u32 s28, $0x1;
	[dreg:$0x2] =	wrdreg s3  }
0xa9: {  	[dreg:$0x3] =	wrdreg s5  }
0xaa: {  	[dreg:$0x4] =	wrdreg $0xC0  }
0xab: {  	_ =	task [dreg:s7], $0x5FFFF  }
0xac: {  	[dreg:$0x1] =	wrdreg $0xFFFFFFFF  }
0xad: {  	[dreg:$0x0] =	wrdreg $0x60  }
0xae: {  	[dreg:$0x2] =	wrdreg s2  }
0xaf: {  	[dreg:$0x3] =	wrdreg s24  }
0xb0: {  	[dreg:$0x4] =	wrdreg $0x9  }
0xb1: {  	_ =	task.clear_ibuf [dreg:s7], $0x5FFFF;
	_ =	strace $0x90000046  }
0xb2: {  	s29 =	simm.s32 $0x9;
	_ =	strace $0x80000048  }
0xb3: {  	_ =	swait.ge [sflag:s29], $0x1  }
0xb4: {  	[sflag:s29] =	ssyncadd.s32 $0xFFFFFFFF  }
0xb5: {  	_ =	strace $0x90000048  }
0xb6: {  	_ =	sfence  }
0xb7: {  	s30 =	sld [smem:$0x0];
	_ =	sdelay $0x2  }
0xb8: {  	s31 =	sshll.u32 s1, $0xD;
	s1 =	sshrl.u32 s1, $0x2  }
0xb9: {  	s3 =	sand.u32 $0x4000, s31;
	s1 =	sadd.s32 s1, s30  }
0xba: {  	s0 =	sor.u32 s3, s0;
	s1 =	sshll.u32 s1, $0x11  }
0xbb: {  	s0 =	sor.u32 s1, s0  }
0xbc: {  	s0 =	sadd.s32 $0x8F2B, s0  }
0xbd: {  	[sflag:s0] =	ssyncadd.remote.s32 $0x1  }
0xbe: {  	_ =	sfence.sel $0xFFFF  }
0xbf: {  	[dreg:$0x0] =	wrdreg $0xFFFFFFFF;
	(pc) =	sbr.abs _section_cstart, $3  }
0xc0: {  	[dreg:$0x1] =	wrdreg $0xFFFFFFFF  }
0xc1: {  	_ =	task.clear_ibuf [dreg:s7], $0x2FFFF;
	_ =	strace $0x9FFFFFFF  }
0xc2: {  	(tm) =	ssettm $0x7FFFFFFF  }
0xc3: {  	_ =	shalt  }
tec
execute0_lowered:
.L_overlay_start_1:
0x0: {  	(tag) =	ssettag $0x1  }
0x1: {  	s3 =	rddreg [dreg:$0x0]  }
0x2: {  	s5 =	rddreg [dreg:$0x1]  }
0x3: {  	s0 =	rddreg [dreg:$0x2];
	s4 =	srdreg.scid  }
0x4: {  	s2 =	simm.s32 $0x0;
	s1 =	stileid.u32;
	s10 =	simm.s32 $0x2  }
0x5: {  	s11 =	simm.s32 $0x10000;
	s12 =	simm.s32 $0x3;
	s13 =	simm.s32 $0x0  }
0x6: {  	s4 =	sand.u32 $0x1, s4;
	s31 =	sshll.u32 s1, $0xF;
	[smem:$0x7FF] =	sst s2  }
0x7: {  	s9 =	sshll.u32 s1, $0x7;
	s6 =	ssub.s32 $0x2, s4;
	s7 =	sshll.u32 s4, $0x6  }
0x8: {  	v0 =	vlaneseq.u32;
	_ =	strace $0x80000047;
	s8 =	sshrl.u32 s6, $0x1;
	s4 =	sor.u32 s7, s31  }
0x9: {  	v1 =	vor.u32 $0x10, v0;
	s7 =	sadd.s32 s5, s7;
	s8 =	ssub.s32 s6, s8;
	s3 =	sadd.s32 s3, s4  }
0xa: {  	v2 =	vor.u32 $0x20, v0;
	v3 =	vor.u32 $0x30, v0;
	v4 =	vor.u32 $0x40, v0;
	s7 =	sadd.s32 s9, s7;
	s9 =	simm.s32 $0x1;
	s4 =	sadd.s32 $0x10, s3  }
0xb: {  	v5 =	vor.u32 $0x50, v0;
	v6 =	vor.u32 $0x60, v0;
	v7 =	vor.u32 $0x70, v0;
	s5 =	sadd.s32 $0x20, s3;
	s6 =	sadd.s32 $0x30, s3;
	s8 =	smax.u32 s8, $0x1  }
.LBB2_1:
0xc: {  	s14 =	simm.s32 $0x80  }
0xd: {  	s17 =	sadd.s32 $0x0, s3;
	s15 =	simm.s32 $0x100;
	s16 =	simm.s32 $0x0  }
.LBB2_2:
0xe: {  	[tilespmem:s16], [sflag:$0x1] =	stream.linear.gather [hbm4b:s17+s2], $0x80, $0x38;
	[tilespmem:$0x10200] =	vst v63  }
0xf: {  	s17 =	smov.u32 s14;
	s16 =	smov.u32 s15;
	p0 =	sne.s32 s14, $0x7F80  }
.Ltmp0:
0x10: {  	s14 =	sadd.s32 $0x80, s14;
	(pc) =	sbr.rel @p0 .LBB2_2-.Ltmp0, $2  }
0x11: {  	_ =	sdelay $0x2  }
0x12: {  	s15 =	sadd.s32 $0x100, s15;
	s17 =	sadd.s32 s17, s3  }
0x13: {  	[tilespmem:s16], [sflag:$0x1] =	stream.linear.gather [hbm4b:s17+s2], $0x80, $0x38;
	[tilespmem:$0x10200] =	vst v63  }
0x14: {  	_ =	swait.ge [sflag:s9], $0x8000  }
0x15: {  	s14 =	simm.s32 $0x0;
	[sflag:s9] =	ssyncset.done $0x0  }
0x16: {  	s15 =	simm.s32 $0x80;
	s16 =	simm.s32 $0x0;
	[sflag:s9] =	ssyncadd.s32 $0xFFFF8000  }
.LBB2_4:
0x17: {  	p0 =	sne.s32 s16, $0x7F80  }
.Ltmp1:
0x18: {  	_ = 	snop;
	(pc) =	sbr.rel @p0 .LBB2_4-.Ltmp1, $4  }
0x19: {  	_ = 	snop  }
0x1a: {  	s17 =	sadd.s32 s16, s4  }
0x1b: {  	[tilespmem:s15], [sflag:$0x2] =	stream.linear.gather [hbm4b:s17+s14], $0x80, $0x38;
	[tilespmem:$0x10200] =	vst v63  }
0x1c: {  	s16 =	sadd.s32 $0x80, s16;
	s15 =	sadd.s32 $0x100, s15  }
0x1d: {  	s17 =	simm.s32 $0x100  }
0x1e: {  	v13 =	vld [tilespmem:s17+$0xFFFFFF40]  }
0x1f: {  	v12 =	vld [tilespmem:s17+$0xFFFFFF50]  }
0x20: {  	v8 =	vld [tilespmem:s17+$0xFFFFFF60]  }
0x21: {  	v16 =	vld [tilespmem:s17+$0xFFFFFF00]  }
0x22: {  	v17 =	vld [tilespmem:s17+$0xFFFFFF30]  }
0x23: {  	v19 =	vld [tilespmem:s17+$0xFFFFFF20]  }
0x24: {  	v21 =	vld [tilespmem:s17+$0xFFFFFF10]  }
0x25: {  	v9 =	vimm.f32 $+Inf;
	v15 =	vld [tilespmem:s17+$0x0]  }
0x26: {  	v20 =	vimm.s32 $0x0;
	v10 =	vld [tilespmem:s17+$0x60];
	vm0 =	vlt.f32 v13, v9  }
0x27: {  	vm2 =	vlt.f32 v8, v9;
	v11 =	vmin.f32 v9, v8;
	vm1 =	vlt.f32 v12, v9  }
0x28: {  	v18 =	vld [tilespmem:s17+$0x40];
	vm4 =	vlt.f32 v16, v9;
	v14 =	vmin.f32 v9, v12;
	v24 =	vmin.f32 v9, v16  }
0x29: {  	v29 =	vld [tilespmem:s17+$0x10];
	v23 =	vmin.f32 v9, v17;
	v26 =	vmin.f32 v9, v19;
	vm5 =	vlt.f32 v21, v9  }
0x2a: {  	v25 =	vld [tilespmem:s17+$0x20];
	v30 =	vmin.f32 v9, v21;
	v21 =	vimm.s32 $0x0;
	v22 =	vsel vm2, s14, v20  }
0x2b: {  	v27 =	vld [tilespmem:s17+$0x30];
	vm2 =	vlt.f32 v10, v11;
	v16 =	vmin.f32 v24, v15;
	vm3 =	vlt.f32 v15, v24  }
0x2c: {  	s15 =	simm.s32 $0x1;
	v8 =	vld [tilespmem:s17+$0x70];
	v28 =	vsel vm4, s14, v20;
	v31 =	vsel vm5, s14, v20;
	vm4 =	vlt.f32 v19, v9  }
0x2d: {  	v19 =	vld [tilespmem:s17+$0xFFFFFF70];
	v24 =	vimm.s32 $0x0;
	v15 =	vimm.s32 $0x0;
	v12 =	vsel vm2, s15, v22  }
0x2e: {  	s16 =	simm.s32 $0x2;
	vm2 =	vlt.f32 v17, v9;
	v22 =	vmin.f32 v9, v13;
	v17 =	vld [tilespmem:s17+$0x50];
	s17 =	simm.s32 $0x300;
	v13 =	vimm.s32 $0x0  }
.LBB2_6:
0x2f: {  	v32 =	vld [tilespmem:s17+$0x70];
	p0 =	slt.u32 s16, $0xFE;
	v20 =	vsel vm1, s14, v20;
	vm1 =	vlt.f32 v29, v30;
	v30 =	vmin.f32 v30, v29;
	s18 =	smov.u32 s16;
	s16 =	sadd.s32 $0x2, s16  }
0x30: {  	v34 =	vmin.f32 v22, v18;
	v33 =	vld [tilespmem:s17+$0xFFFFFF40];
	v31 =	vsel vm1, s15, v31;
	vm1 =	vlt.f32 v25, v26  }
0x31: {  	v21 =	vsel vm4, s14, v21;
	v24 =	vsel vm2, s14, v24;
	v35 =	vmin.f32 v26, v25;
	v29 =	vld [tilespmem:s17+$0xFFFFFF50]  }
0x32: {  	vm4 =	vlt.f32 v18, v22;
	v25 =	vld [tilespmem:s17+$0xFFFFFF60];
	vm2 =	vlt.f32 v27, v23;
	v23 =	vmin.f32 v23, v27  }
0x33: {  	v15 =	vsel vm0, s14, v15;
	v21 =	vsel vm1, s15, v21;
	v27 =	vld [tilespmem:s17+$0x0];
	v18 =	vmin.f32 v9, v19  }
0x34: {  	v15 =	vsel vm4, s15, v15;
	vm0 =	vlt.f32 v17, v14;
	v14 =	vmin.f32 v14, v17;
	v22 =	vld [tilespmem:s17+$0x60]  }
0x35: {  	v28 =	vsel vm3, s15, v28;
	v20 =	vsel vm0, s15, v20;
	v24 =	vsel vm2, s15, v24;
	v17 =	vld [tilespmem:s17+$0xFFFFFF00]  }
0x36: {  	vm1 =	vlt.f32 v19, v9;
	vm2 =	vlt.f32 v8, v18;
	v9 =	vmin.f32 v18, v8;
	v8 =	vmovc v32;
	v26 =	vld [tilespmem:s17+$0xFFFFFF30]  }
0x37: {  	v36 =	vmin.f32 v11, v10;
	v13 =	vsel vm1, s14, v13;
	s14 =	smov.u32 s18;
	vm0 =	vlt.f32 v33, v34;
	v19 =	vld [tilespmem:s17+$0xFFFFFF20]  }
0x38: {  	v13 =	vsel vm2, s15, v13;
	vm3 =	vlt.f32 v25, v36;
	v11 =	vmin.f32 v36, v25;
	v32 =	vld [tilespmem:s17+$0xFFFFFF10]  }
0x39: {  	s15 =	sadd.s32 $0x1, s14;
	vm1 =	vlt.f32 v29, v14;
	v12 =	vsel vm3, s14, v12;
	v18 =	vld [tilespmem:s17+$0x40];
	vm2 =	vlt.f32 v22, v11;
	v10 =	vmovc v22  }
.Ltmp2:
0x3a: {  	v14 =	vmin.f32 v14, v29;
	vm4 =	vlt.f32 v17, v16;
	v29 =	vld [tilespmem:s17+$0x10];
	v12 =	vsel vm2, s15, v12;
	(pc) =	sbr.rel @p0 .LBB2_6-.Ltmp2, $4  }
0x3b: {  	v36 =	vmin.f32 v16, v17;
	vm2 =	vlt.f32 v26, v23;
	v23 =	vmin.f32 v23, v26;
	v25 =	vld [tilespmem:s17+$0x20]  }
0x3c: {  	v22 =	vmin.f32 v34, v33;
	v16 =	vmin.f32 v36, v27;
	v26 =	vmin.f32 v35, v19;
	v17 =	vld [tilespmem:s17+$0x50]  }
0x3d: {  	vm3 =	vlt.f32 v27, v36;
	vm5 =	vlt.f32 v32, v30;
	v30 =	vmin.f32 v30, v32;
	v27 =	vld [tilespmem:s17+$0x30]  }
0x3e: {  	v28 =	vsel vm4, s14, v28;
	vm4 =	vlt.f32 v19, v35;
	v31 =	vsel vm5, s14, v31;
	v19 =	vld [tilespmem:s17+$0xFFFFFF70];
	s17 =	sadd.s32 $0x200, s17  }
0x3f: {  	vm5 =	vlt.f32 v29, v30  }
0x40: {  	v20 =	vsel vm1, s14, v20;
	v47 =	vmin.f32 v30, v29;
	v49 =	vmin.f32 v22, v18  }
0x41: {  	v28 =	vsel vm3, s15, v28;
	v21 =	vsel vm4, s14, v21;
	v48 =	vsel vm5, s15, v31  }
0x42: {  	v24 =	vsel vm2, s14, v24;
	v28 =	vshll.u32 v28, $0x7;
	v30 =	vshll.u32 v48, $0x7  }
0x43: {  	vm7 =	vlt.f32 v18, v22;
	v28 =	vor.u32 v0, v28;
	v30 =	vor.u32 v1, v30  }
0x44: {  	vm9 =	vlt.f32 v25, v26;
	vm10 =	veq.f32 v47, v16;
	vm11 =	vlt.s32 v30, v28  }
0x45: {  	vm12 =	vlt.f32 v47, v16;
	v21 =	vsel vm9, s15, v21;
	vm2 =	vmand vm10, vm11  }
0x46: {  	v50 =	vmin.f32 v26, v25;
	v21 =	vshll.u32 v21, $0x7;
	vm1 =	vmor vm12, vm2  }
0x47: {  	v21 =	vor.u32 v2, v21;
	v51 =	vsel vm1, v47, v16;
	v52 =	vsel vm1, v30, v28  }
0x48: {  	vm13 =	vlt.f32 v27, v23;
	vm14 =	veq.f32 v50, v51;
	vm15 =	vlt.s32 v21, v52  }
0x49: {  	v24 =	vsel vm13, s15, v24;
	vm6 =	vlt.f32 v50, v51;
	vm1 =	vmand vm14, vm15  }
0x4a: {  	v53 =	vmin.f32 v23, v27;
	v54 =	vshll.u32 v24, $0x7;
	vm1 =	vmor vm6, vm1  }
0x4b: {  	v18 =	vor.u32 v3, v54;
	v16 =	vsel vm1, v50, v51;
	v21 =	vsel vm1, v21, v52  }
0x4c: {  	v15 =	vsel vm0, s14, v15;
	vm8 =	veq.f32 v53, v16;
	vm1 =	vlt.s32 v18, v21  }
0x4d: {  	v15 =	vsel vm7, s15, v15;
	vm9 =	vlt.f32 v53, v16;
	vm0 =	vmand vm8, vm1  }
0x4e: {  	v58 =	vmin.f32 v11, v10;
	v15 =	vshll.u32 v15, $0x7;
	vm0 =	vmor vm9, vm0  }
0x4f: {  	v15 =	vor.u32 v4, v15;
	v16 =	vsel vm0, v53, v16;
	v18 =	vsel vm0, v18, v21  }
0x50: {  	vm10 =	vlt.f32 v17, v14;
	vm11 =	veq.f32 v49, v16;
	vm12 =	vlt.s32 v15, v18  }
0x51: {  	v20 =	vsel vm10, s15, v20;
	vm13 =	vlt.f32 v49, v16;
	vm1 =	vmand vm11, vm12  }
0x52: {  	v56 =	vmin.f32 v14, v17;
	v57 =	vshll.u32 v20, $0x7;
	vm0 =	vmor vm13, vm1  }
0x53: {  	v17 =	vor.u32 v5, v57;
	v16 =	vsel vm0, v49, v16;
	v15 =	vsel vm0, v15, v18  }
0x54: {  	v59 =	vshll.u32 v12, $0x7;
	vm15 =	veq.f32 v56, v16;
	vm8 =	vlt.s32 v17, v15  }
0x55: {  	v10 =	vor.u32 v6, v59;
	vm10 =	vlt.f32 v56, v16;
	vm1 =	vmand vm15, vm8  }
0x56: {  	v55 =	vmin.f32 v9, v19;
	vm14 =	vlt.f32 v19, v9;
	vm1 =	vmor vm10, vm1  }
0x57: {  	v13 =	vsel vm14, s14, v13;
	v60 =	vsel vm1, v56, v16;
	v61 =	vsel vm1, v17, v15  }
0x58: {  	vm9 =	vlt.f32 v8, v55;
	vm11 =	veq.f32 v58, v60;
	vm1 =	vlt.s32 v10, v61  }
0x59: {  	v13 =	vsel vm9, s15, v13;
	vm12 =	vlt.f32 v58, v60;
	vm0 =	vmand vm11, vm1  }
0x5a: {  	v8 =	vmin.f32 v55, v8;
	v13 =	vshll.u32 v13, $0x7;
	vm0 =	vmor vm12, vm0  }
0x5b: {  	v62 =	vor.u32 v7, v13;
	v9 =	vsel vm0, v58, v60;
	v10 =	vsel vm0, v10, v61  }
0x5c: {  	vm13 =	veq.f32 v8, v9;
	vm14 =	vlt.s32 v62, v10  }
0x5d: {  	vm15 =	vlt.f32 v8, v9;
	vm0 =	vmand vm13, vm14  }
0x5e: {  	vm0 =	vmor vm15, vm0  }
0x5f: {  	v8 =	vsel vm0, v8, v9;
	v63 =	vsel vm0, v62, v10  }
0x60: {  	(xrf1) =	vsort.ascd.msk.u32 $0xffff, v63, v8;
	_ =	sdelay $0xd  }
0x61: {  	v8, v9, _ =	vpop (xrf1)  }
0x62: {  	(xrf1) =	vsort.ascd.msk.f32 $0xffff, v9, v8;
	_ =	sdelay $0xd  }
0x63: {  	_, v8, _ =	vpop (xrf1)  }
0x64: {  	[tilespmem:$0x10000] =	vst v8  }
0x65: {  	_ =	swait.ge [sflag:s10], $0x8000  }
0x66: {  	s16 =	simm.s32 $0x0;
	[sflag:s10] =	ssyncset.done $0x0  }
0x67: {  	s14 =	simm.s32 $0x0;
	s15 =	simm.s32 $0x0;
	[sflag:s10] =	ssyncadd.s32 $0xFFFF8000  }
.LBB2_8:
0x68: {  	p0 =	sne.s32 s16, $0x7F80  }
.Ltmp3:
0x69: {  	_ = 	snop;
	(pc) =	sbr.rel @p0 .LBB2_8-.Ltmp3, $4  }
0x6a: {  	_ = 	snop  }
0x6b: {  	s17 =	sadd.s32 s16, s5  }
0x6c: {  	[tilespmem:s15], [sflag:$0x1] =	stream.linear.gather [hbm4b:s17+s14], $0x80, $0x38;
	[tilespmem:$0x10200] =	vst v63  }
0x6d: {  	s16 =	sadd.s32 $0x80, s16;
	s15 =	sadd.s32 $0x100, s15  }
0x6e: {  	s17 =	simm.s32 $0x180  }
0x6f: {  	v13 =	vld [tilespmem:s17+$0xFFFFFF40]  }
0x70: {  	v12 =	vld [tilespmem:s17+$0xFFFFFF50]  }
0x71: {  	v8 =	vld [tilespmem:s17+$0xFFFFFF60]  }
0x72: {  	v16 =	vld [tilespmem:s17+$0xFFFFFF00]  }
0x73: {  	v17 =	vld [tilespmem:s17+$0xFFFFFF30]  }
0x74: {  	v19 =	vld [tilespmem:s17+$0xFFFFFF20]  }
0x75: {  	v21 =	vld [tilespmem:s17+$0xFFFFFF10]  }
0x76: {  	v9 =	vimm.f32 $+Inf;
	v15 =	vld [tilespmem:s17+$0x0]  }
0x77: {  	v20 =	vimm.s32 $0x0;
	v10 =	vld [tilespmem:s17+$0x60];
	vm0 =	vlt.f32 v13, v9  }
0x78: {  	vm2 =	vlt.f32 v8, v9;
	v11 =	vmin.f32 v9, v8;
	vm1 =	vlt.f32 v12, v9  }
0x79: {  	v18 =	vld [tilespmem:s17+$0x40];
	vm4 =	vlt.f32 v16, v9;
	v14 =	vmin.f32 v9, v12;
	v24 =	vmin.f32 v9, v16  }
0x7a: {  	v29 =	vld [tilespmem:s17+$0x10];
	v23 =	vmin.f32 v9, v17;
	v26 =	vmin.f32 v9, v19;
	vm5 =	vlt.f32 v21, v9  }
0x7b: {  	v25 =	vld [tilespmem:s17+$0x20];
	v30 =	vmin.f32 v9, v21;
	v21 =	vimm.s32 $0x0;
	v22 =	vsel vm2, s14, v20  }
0x7c: {  	v27 =	vld [tilespmem:s17+$0x30];
	vm2 =	vlt.f32 v10, v11;
	v16 =	vmin.f32 v24, v15;
	vm3 =	vlt.f32 v15, v24  }
0x7d: {  	s15 =	simm.s32 $0x1;
	v8 =	vld [tilespmem:s17+$0x70];
	v28 =	vsel vm4, s14, v20;
	v31 =	vsel vm5, s14, v20;
	vm4 =	vlt.f32 v19, v9  }
0x7e: {  	v19 =	vld [tilespmem:s17+$0xFFFFFF70];
	v24 =	vimm.s32 $0x0;
	v15 =	vimm.s32 $0x0;
	v12 =	vsel vm2, s15, v22  }
0x7f: {  	s16 =	simm.s32 $0x2;
	vm2 =	vlt.f32 v17, v9;
	v22 =	vmin.f32 v9, v13;
	v17 =	vld [tilespmem:s17+$0x50];
	s17 =	simm.s32 $0x380;
	v13 =	vimm.s32 $0x0  }
.LBB2_10:
0x80: {  	v32 =	vld [tilespmem:s17+$0x70];
	p0 =	slt.u32 s16, $0xFE;
	v20 =	vsel vm1, s14, v20;
	vm1 =	vlt.f32 v29, v30;
	v30 =	vmin.f32 v30, v29;
	s18 =	smov.u32 s16;
	s16 =	sadd.s32 $0x2, s16  }
0x81: {  	v34 =	vmin.f32 v22, v18;
	v33 =	vld [tilespmem:s17+$0xFFFFFF40];
	v31 =	vsel vm1, s15, v31;
	vm1 =	vlt.f32 v25, v26  }
0x82: {  	v21 =	vsel vm4, s14, v21;
	v24 =	vsel vm2, s14, v24;
	v35 =	vmin.f32 v26, v25;
	v29 =	vld [tilespmem:s17+$0xFFFFFF50]  }
0x83: {  	vm4 =	vlt.f32 v18, v22;
	v25 =	vld [tilespmem:s17+$0xFFFFFF60];
	vm2 =	vlt.f32 v27, v23;
	v23 =	vmin.f32 v23, v27  }
0x84: {  	v15 =	vsel vm0, s14, v15;
	v21 =	vsel vm1, s15, v21;
	v27 =	vld [tilespmem:s17+$0x0];
	v18 =	vmin.f32 v9, v19  }
0x85: {  	v15 =	vsel vm4, s15, v15;
	vm0 =	vlt.f32 v17, v14;
	v14 =	vmin.f32 v14, v17;
	v22 =	vld [tilespmem:s17+$0x60]  }
0x86: {  	v28 =	vsel vm3, s15, v28;
	v20 =	vsel vm0, s15, v20;
	v24 =	vsel vm2, s15, v24;
	v17 =	vld [tilespmem:s17+$0xFFFFFF00]  }
0x87: {  	vm1 =	vlt.f32 v19, v9;
	vm2 =	vlt.f32 v8, v18;
	v9 =	vmin.f32 v18, v8;
	v8 =	vmovc v32;
	v26 =	vld [tilespmem:s17+$0xFFFFFF30]  }
0x88: {  	v36 =	vmin.f32 v11, v10;
	v13 =	vsel vm1, s14, v13;
	s14 =	smov.u32 s18;
	vm0 =	vlt.f32 v33, v34;
	v19 =	vld [tilespmem:s17+$0xFFFFFF20]  }
0x89: {  	v13 =	vsel vm2, s15, v13;
	vm3 =	vlt.f32 v25, v36;
	v11 =	vmin.f32 v36, v25;
	v32 =	vld [tilespmem:s17+$0xFFFFFF10]  }
0x8a: {  	s15 =	sadd.s32 $0x1, s14;
	vm1 =	vlt.f32 v29, v14;
	v12 =	vsel vm3, s14, v12;
	v18 =	vld [tilespmem:s17+$0x40];
	vm2 =	vlt.f32 v22, v11;
	v10 =	vmovc v22  }
.Ltmp4:
0x8b: {  	v14 =	vmin.f32 v14, v29;
	vm4 =	vlt.f32 v17, v16;
	v29 =	vld [tilespmem:s17+$0x10];
	v12 =	vsel vm2, s15, v12;
	(pc) =	sbr.rel @p0 .LBB2_10-.Ltmp4, $4  }
0x8c: {  	v36 =	vmin.f32 v16, v17;
	vm2 =	vlt.f32 v26, v23;
	v23 =	vmin.f32 v23, v26;
	v25 =	vld [tilespmem:s17+$0x20]  }
0x8d: {  	v22 =	vmin.f32 v34, v33;
	v16 =	vmin.f32 v36, v27;
	v26 =	vmin.f32 v35, v19;
	v17 =	vld [tilespmem:s17+$0x50]  }
0x8e: {  	vm3 =	vlt.f32 v27, v36;
	vm5 =	vlt.f32 v32, v30;
	v30 =	vmin.f32 v30, v32;
	v27 =	vld [tilespmem:s17+$0x30]  }
0x8f: {  	v28 =	vsel vm4, s14, v28;
	vm4 =	vlt.f32 v19, v35;
	v31 =	vsel vm5, s14, v31;
	v19 =	vld [tilespmem:s17+$0xFFFFFF70];
	s17 =	sadd.s32 $0x200, s17  }
0x90: {  	vm5 =	vlt.f32 v29, v30  }
0x91: {  	v20 =	vsel vm1, s14, v20;
	v47 =	vmin.f32 v30, v29;
	v49 =	vmin.f32 v22, v18  }
0x92: {  	v28 =	vsel vm3, s15, v28;
	v21 =	vsel vm4, s14, v21;
	v48 =	vsel vm5, s15, v31  }
0x93: {  	v24 =	vsel vm2, s14, v24;
	v28 =	vshll.u32 v28, $0x7;
	v30 =	vshll.u32 v48, $0x7  }
0x94: {  	vm7 =	vlt.f32 v18, v22;
	v28 =	vor.u32 v0, v28;
	v30 =	vor.u32 v1, v30  }
0x95: {  	vm9 =	vlt.f32 v25, v26;
	vm10 =	veq.f32 v47, v16;
	vm11 =	vlt.s32 v30, v28  }
0x96: {  	vm12 =	vlt.f32 v47, v16;
	v21 =	vsel vm9, s15, v21;
	vm2 =	vmand vm10, vm11  }
0x97: {  	v50 =	vmin.f32 v26, v25;
	v21 =	vshll.u32 v21, $0x7;
	vm1 =	vmor vm12, vm2  }
0x98: {  	v21 =	vor.u32 v2, v21;
	v51 =	vsel vm1, v47, v16;
	v52 =	vsel vm1, v30, v28  }
0x99: {  	vm13 =	vlt.f32 v27, v23;
	vm14 =	veq.f32 v50, v51;
	vm15 =	vlt.s32 v21, v52  }
0x9a: {  	v24 =	vsel vm13, s15, v24;
	vm6 =	vlt.f32 v50, v51;
	vm1 =	vmand vm14, vm15  }
0x9b: {  	v53 =	vmin.f32 v23, v27;
	v54 =	vshll.u32 v24, $0x7;
	vm1 =	vmor vm6, vm1  }
0x9c: {  	v18 =	vor.u32 v3, v54;
	v16 =	vsel vm1, v50, v51;
	v21 =	vsel vm1, v21, v52  }
0x9d: {  	v15 =	vsel vm0, s14, v15;
	vm8 =	veq.f32 v53, v16;
	vm1 =	vlt.s32 v18, v21  }
0x9e: {  	v15 =	vsel vm7, s15, v15;
	vm9 =	vlt.f32 v53, v16;
	vm0 =	vmand vm8, vm1  }
0x9f: {  	v58 =	vmin.f32 v11, v10;
	v15 =	vshll.u32 v15, $0x7;
	vm0 =	vmor vm9, vm0  }
0xa0: {  	v15 =	vor.u32 v4, v15;
	v16 =	vsel vm0, v53, v16;
	v18 =	vsel vm0, v18, v21  }
0xa1: {  	vm10 =	vlt.f32 v17, v14;
	vm11 =	veq.f32 v49, v16;
	vm12 =	vlt.s32 v15, v18  }
0xa2: {  	v20 =	vsel vm10, s15, v20;
	vm13 =	vlt.f32 v49, v16;
	vm1 =	vmand vm11, vm12  }
0xa3: {  	v56 =	vmin.f32 v14, v17;
	v57 =	vshll.u32 v20, $0x7;
	vm0 =	vmor vm13, vm1  }
0xa4: {  	v17 =	vor.u32 v5, v57;
	v16 =	vsel vm0, v49, v16;
	v15 =	vsel vm0, v15, v18  }
0xa5: {  	v59 =	vshll.u32 v12, $0x7;
	vm15 =	veq.f32 v56, v16;
	vm8 =	vlt.s32 v17, v15  }
0xa6: {  	v10 =	vor.u32 v6, v59;
	vm10 =	vlt.f32 v56, v16;
	vm1 =	vmand vm15, vm8  }
0xa7: {  	v55 =	vmin.f32 v9, v19;
	vm14 =	vlt.f32 v19, v9;
	vm1 =	vmor vm10, vm1  }
0xa8: {  	v13 =	vsel vm14, s14, v13;
	v60 =	vsel vm1, v56, v16;
	v61 =	vsel vm1, v17, v15  }
0xa9: {  	vm9 =	vlt.f32 v8, v55;
	vm11 =	veq.f32 v58, v60;
	vm1 =	vlt.s32 v10, v61  }
0xaa: {  	v13 =	vsel vm9, s15, v13;
	vm12 =	vlt.f32 v58, v60;
	vm0 =	vmand vm11, vm1  }
0xab: {  	v8 =	vmin.f32 v55, v8;
	v13 =	vshll.u32 v13, $0x7;
	vm0 =	vmor vm12, vm0  }
0xac: {  	v62 =	vor.u32 v7, v13;
	v9 =	vsel vm0, v58, v60;
	v10 =	vsel vm0, v10, v61  }
0xad: {  	vm13 =	veq.f32 v8, v9;
	vm14 =	vlt.s32 v62, v10  }
0xae: {  	vm15 =	vlt.f32 v8, v9;
	vm0 =	vmand vm13, vm14  }
0xaf: {  	vm0 =	vmor vm15, vm0  }
0xb0: {  	v8 =	vsel vm0, v8, v9;
	v63 =	vsel vm0, v62, v10  }
0xb1: {  	(xrf1) =	vsort.ascd.msk.u32 $0xffff, v63, v8;
	_ =	sdelay $0xd  }
0xb2: {  	v8, v9, _ =	vpop (xrf1)  }
0xb3: {  	(xrf1) =	vsort.ascd.msk.f32 $0xffff, v9, v8;
	_ =	sdelay $0xd  }
0xb4: {  	_, v8, _ =	vpop (xrf1)  }
0xb5: {  	[tilespmem:$0x10080] =	vst v8  }
0xb6: {  	_ =	swait.ge [sflag:s9], $0x8000  }
0xb7: {  	s16 =	simm.s32 $0x0;
	[sflag:s9] =	ssyncset.done $0x0  }
0xb8: {  	s14 =	simm.s32 $0x0;
	s15 =	simm.s32 $0x80;
	[sflag:s9] =	ssyncadd.s32 $0xFFFF8000  }
.LBB2_12:
0xb9: {  	p0 =	sne.s32 s16, $0x7F80  }
.Ltmp5:
0xba: {  	_ = 	snop;
	(pc) =	sbr.rel @p0 .LBB2_12-.Ltmp5, $4  }
0xbb: {  	_ = 	snop  }
0xbc: {  	s17 =	sadd.s32 s16, s6  }
0xbd: {  	[tilespmem:s15], [sflag:$0x2] =	stream.linear.gather [hbm4b:s17+s14], $0x80, $0x38;
	[tilespmem:$0x10200] =	vst v63  }
0xbe: {  	s16 =	sadd.s32 $0x80, s16;
	s15 =	sadd.s32 $0x100, s15  }
0xbf: {  	s17 =	simm.s32 $0x100  }
0xc0: {  	v13 =	vld [tilespmem:s17+$0xFFFFFF40]  }
0xc1: {  	v12 =	vld [tilespmem:s17+$0xFFFFFF50]  }
0xc2: {  	v8 =	vld [tilespmem:s17+$0xFFFFFF60]  }
0xc3: {  	v16 =	vld [tilespmem:s17+$0xFFFFFF00]  }
0xc4: {  	v17 =	vld [tilespmem:s17+$0xFFFFFF30]  }
0xc5: {  	v19 =	vld [tilespmem:s17+$0xFFFFFF20]  }
0xc6: {  	v21 =	vld [tilespmem:s17+$0xFFFFFF10]  }
0xc7: {  	v9 =	vimm.f32 $+Inf;
	v15 =	vld [tilespmem:s17+$0x0]  }
0xc8: {  	v20 =	vimm.s32 $0x0;
	v10 =	vld [tilespmem:s17+$0x60];
	vm0 =	vlt.f32 v13, v9  }
0xc9: {  	vm2 =	vlt.f32 v8, v9;
	v11 =	vmin.f32 v9, v8;
	vm1 =	vlt.f32 v12, v9  }
0xca: {  	v18 =	vld [tilespmem:s17+$0x40];
	vm4 =	vlt.f32 v16, v9;
	v14 =	vmin.f32 v9, v12;
	v24 =	vmin.f32 v9, v16  }
0xcb: {  	v29 =	vld [tilespmem:s17+$0x10];
	v23 =	vmin.f32 v9, v17;
	v26 =	vmin.f32 v9, v19;
	vm5 =	vlt.f32 v21, v9  }
0xcc: {  	v25 =	vld [tilespmem:s17+$0x20];
	v30 =	vmin.f32 v9, v21;
	v21 =	vimm.s32 $0x0;
	v22 =	vsel vm2, s14, v20  }
0xcd: {  	v27 =	vld [tilespmem:s17+$0x30];
	vm2 =	vlt.f32 v10, v11;
	v16 =	vmin.f32 v24, v15;
	vm3 =	vlt.f32 v15, v24  }
0xce: {  	s15 =	simm.s32 $0x1;
	v8 =	vld [tilespmem:s17+$0x70];
	v28 =	vsel vm4, s14, v20;
	v31 =	vsel vm5, s14, v20;
	vm4 =	vlt.f32 v19, v9  }
0xcf: {  	v19 =	vld [tilespmem:s17+$0xFFFFFF70];
	v24 =	vimm.s32 $0x0;
	v15 =	vimm.s32 $0x0;
	v12 =	vsel vm2, s15, v22  }
0xd0: {  	s16 =	simm.s32 $0x2;
	vm2 =	vlt.f32 v17, v9;
	v22 =	vmin.f32 v9, v13;
	v17 =	vld [tilespmem:s17+$0x50];
	s17 =	simm.s32 $0x300;
	v13 =	vimm.s32 $0x0  }
.LBB2_14:
0xd1: {  	v32 =	vld [tilespmem:s17+$0x70];
	p0 =	slt.u32 s16, $0xFE;
	v20 =	vsel vm1, s14, v20;
	vm1 =	vlt.f32 v29, v30;
	v30 =	vmin.f32 v30, v29;
	s18 =	smov.u32 s16;
	s16 =	sadd.s32 $0x2, s16  }
0xd2: {  	v34 =	vmin.f32 v22, v18;
	v33 =	vld [tilespmem:s17+$0xFFFFFF40];
	v31 =	vsel vm1, s15, v31;
	vm1 =	vlt.f32 v25, v26  }
0xd3: {  	v21 =	vsel vm4, s14, v21;
	v24 =	vsel vm2, s14, v24;
	v35 =	vmin.f32 v26, v25;
	v29 =	vld [tilespmem:s17+$0xFFFFFF50]  }
0xd4: {  	vm4 =	vlt.f32 v18, v22;
	v25 =	vld [tilespmem:s17+$0xFFFFFF60];
	vm2 =	vlt.f32 v27, v23;
	v23 =	vmin.f32 v23, v27  }
0xd5: {  	v15 =	vsel vm0, s14, v15;
	v21 =	vsel vm1, s15, v21;
	v27 =	vld [tilespmem:s17+$0x0];
	v18 =	vmin.f32 v9, v19  }
0xd6: {  	v15 =	vsel vm4, s15, v15;
	vm0 =	vlt.f32 v17, v14;
	v14 =	vmin.f32 v14, v17;
	v22 =	vld [tilespmem:s17+$0x60]  }
0xd7: {  	v28 =	vsel vm3, s15, v28;
	v20 =	vsel vm0, s15, v20;
	v24 =	vsel vm2, s15, v24;
	v17 =	vld [tilespmem:s17+$0xFFFFFF00]  }
0xd8: {  	vm1 =	vlt.f32 v19, v9;
	vm2 =	vlt.f32 v8, v18;
	v9 =	vmin.f32 v18, v8;
	v8 =	vmovc v32;
	v26 =	vld [tilespmem:s17+$0xFFFFFF30]  }
0xd9: {  	v36 =	vmin.f32 v11, v10;
	v13 =	vsel vm1, s14, v13;
	s14 =	smov.u32 s18;
	vm0 =	vlt.f32 v33, v34;
	v19 =	vld [tilespmem:s17+$0xFFFFFF20]  }
0xda: {  	v13 =	vsel vm2, s15, v13;
	vm3 =	vlt.f32 v25, v36;
	v11 =	vmin.f32 v36, v25;
	v32 =	vld [tilespmem:s17+$0xFFFFFF10]  }
0xdb: {  	s15 =	sadd.s32 $0x1, s14;
	vm1 =	vlt.f32 v29, v14;
	v12 =	vsel vm3, s14, v12;
	v18 =	vld [tilespmem:s17+$0x40];
	vm2 =	vlt.f32 v22, v11;
	v10 =	vmovc v22  }
.Ltmp6:
0xdc: {  	v14 =	vmin.f32 v14, v29;
	vm4 =	vlt.f32 v17, v16;
	v29 =	vld [tilespmem:s17+$0x10];
	v12 =	vsel vm2, s15, v12;
	(pc) =	sbr.rel @p0 .LBB2_14-.Ltmp6, $4  }
0xdd: {  	v36 =	vmin.f32 v16, v17;
	vm2 =	vlt.f32 v26, v23;
	v23 =	vmin.f32 v23, v26;
	v25 =	vld [tilespmem:s17+$0x20]  }
0xde: {  	v22 =	vmin.f32 v34, v33;
	v16 =	vmin.f32 v36, v27;
	v26 =	vmin.f32 v35, v19;
	v17 =	vld [tilespmem:s17+$0x50]  }
0xdf: {  	vm3 =	vlt.f32 v27, v36;
	vm5 =	vlt.f32 v32, v30;
	v30 =	vmin.f32 v30, v32;
	v27 =	vld [tilespmem:s17+$0x30]  }
0xe0: {  	v28 =	vsel vm4, s14, v28;
	vm4 =	vlt.f32 v19, v35;
	v31 =	vsel vm5, s14, v31;
	v19 =	vld [tilespmem:s17+$0xFFFFFF70];
	s17 =	sadd.s32 $0x200, s17  }
0xe1: {  	vm5 =	vlt.f32 v29, v30  }
0xe2: {  	v20 =	vsel vm1, s14, v20;
	v29 =	vmin.f32 v30, v29;
	v28 =	vsel vm3, s15, v28  }
0xe3: {  	v21 =	vsel vm4, s14, v21;
	v24 =	vsel vm2, s14, v24;
	v30 =	vsel vm5, s15, v31  }
0xe4: {  	vm1 =	vlt.f32 v25, v26;
	v28 =	vshll.u32 v28, $0x7;
	v30 =	vshll.u32 v30, $0x7  }
0xe5: {  	v31 =	vmin.f32 v22, v18;
	v28 =	vor.u32 v0, v28;
	v30 =	vor.u32 v1, v30  }
0xe6: {  	vm2 =	veq.f32 v29, v16;
	v21 =	vsel vm1, s15, v21;
	vm3 =	vlt.s32 v30, v28  }
0xe7: {  	vm1 =	vlt.f32 v29, v16;
	v21 =	vshll.u32 v21, $0x7;
	vm2 =	vmand vm2, vm3  }
0xe8: {  	v25 =	vmin.f32 v26, v25;
	v21 =	vor.u32 v2, v21;
	vm1 =	vmor vm1, vm2  }
0xe9: {  	vm3 =	vlt.f32 v27, v23;
	v16 =	vsel vm1, v29, v16;
	v26 =	vsel vm1, v30, v28  }
0xea: {  	v23 =	vmin.f32 v23, v27;
	vm1 =	veq.f32 v25, v16;
	vm2 =	vlt.s32 v21, v26  }
0xeb: {  	v24 =	vsel vm3, s15, v24;
	vm3 =	vlt.f32 v25, v16;
	vm1 =	vmand vm1, vm2  }
0xec: {  	vm2 =	vlt.f32 v18, v22;
	v18 =	vshll.u32 v24, $0x7;
	vm1 =	vmor vm3, vm1  }
0xed: {  	v18 =	vor.u32 v3, v18;
	v16 =	vsel vm1, v25, v16;
	v21 =	vsel vm1, v21, v26  }
0xee: {  	v15 =	vsel vm0, s14, v15;
	vm0 =	veq.f32 v23, v16;
	vm1 =	vlt.s32 v18, v21  }
0xef: {  	v15 =	vsel vm2, s15, v15;
	vm2 =	vlt.f32 v23, v16;
	vm0 =	vmand vm0, vm1  }
0xf0: {  	v22 =	vmin.f32 v9, v19;
	v15 =	vshll.u32 v15, $0x7;
	vm0 =	vmor vm2, vm0  }
0xf1: {  	v15 =	vor.u32 v4, v15;
	v16 =	vsel vm0, v23, v16;
	v18 =	vsel vm0, v18, v21  }
0xf2: {  	vm0 =	vlt.f32 v17, v14;
	vm1 =	veq.f32 v31, v16;
	vm2 =	vlt.s32 v15, v18  }
0xf3: {  	v20 =	vsel vm0, s15, v20;
	vm0 =	vlt.f32 v31, v16;
	vm1 =	vmand vm1, vm2  }
0xf4: {  	v14 =	vmin.f32 v14, v17;
	v17 =	vshll.u32 v20, $0x7;
	vm0 =	vmor vm0, vm1  }
0xf5: {  	v17 =	vor.u32 v5, v17;
	v16 =	vsel vm0, v31, v16;
	v15 =	vsel vm0, v15, v18  }
0xf6: {  	vm3 =	vlt.f32 v8, v22;
	vm1 =	veq.f32 v14, v16;
	vm2 =	vlt.s32 v17, v15  }
0xf7: {  	vm0 =	vlt.f32 v19, v9;
	vm4 =	vlt.f32 v14, v16;
	vm1 =	vmand vm1, vm2  }
0xf8: {  	v9 =	vmin.f32 v11, v10;
	v10 =	vshll.u32 v12, $0x7;
	vm1 =	vmor vm4, vm1  }
0xf9: {  	v10 =	vor.u32 v6, v10;
	v11 =	vsel vm1, v14, v16;
	v12 =	vsel vm1, v17, v15  }
0xfa: {  	v13 =	vsel vm0, s14, v13;
	vm0 =	veq.f32 v9, v11;
	vm1 =	vlt.s32 v10, v12  }
0xfb: {  	v13 =	vsel vm3, s15, v13;
	vm2 =	vlt.f32 v9, v11;
	vm0 =	vmand vm0, vm1  }
0xfc: {  	v8 =	vmin.f32 v22, v8;
	v13 =	vshll.u32 v13, $0x7;
	vm0 =	vmor vm2, vm0  }
0xfd: {  	v9 =	vsel vm0, v9, v11;
	v10 =	vsel vm0, v10, v12;
	v11 =	vor.u32 v7, v13  }
0xfe: {  	vm0 =	veq.f32 v8, v9;
	vm1 =	vlt.s32 v11, v10  }
0xff: {  	vm2 =	vlt.f32 v8, v9;
	vm0 =	vmand vm0, vm1  }
0x100: {  	vm0 =	vmor vm2, vm0  }
0x101: {  	v8 =	vsel vm0, v8, v9;
	v9 =	vsel vm0, v11, v10  }
0x102: {  	(xrf1) =	vsort.ascd.msk.u32 $0xffff, v9, v8;
	_ =	sdelay $0xd  }
0x103: {  	v8, v9, _ =	vpop (xrf1)  }
0x104: {  	(xrf1) =	vsort.ascd.msk.f32 $0xffff, v9, v8;
	_ =	sdelay $0xd  }
0x105: {  	_, v8, _ =	vpop (xrf1)  }
0x106: {  	[tilespmem:$0x10100] =	vst v8  }
0x107: {  	_ =	swait.ge [sflag:s10], $0x8000  }
0x108: {  	[sflag:s10] =	ssyncset.done $0x0  }
0x109: {  	s17 =	simm.s32 $0x180;
	[sflag:s10] =	ssyncadd.s32 $0xFFFF8000  }
0x10a: {  	v13 =	vld [tilespmem:s17+$0xFFFFFF40]  }
0x10b: {  	v12 =	vld [tilespmem:s17+$0xFFFFFF50]  }
0x10c: {  	v8 =	vld [tilespmem:s17+$0xFFFFFF60]  }
0x10d: {  	v16 =	vld [tilespmem:s17+$0xFFFFFF00]  }
0x10e: {  	v17 =	vld [tilespmem:s17+$0xFFFFFF30]  }
0x10f: {  	v19 =	vld [tilespmem:s17+$0xFFFFFF20]  }
0x110: {  	v21 =	vld [tilespmem:s17+$0xFFFFFF10]  }
0x111: {  	v9 =	vimm.f32 $+Inf;
	v15 =	vld [tilespmem:s17+$0x0]  }
0x112: {  	v20 =	vimm.s32 $0x0;
	v10 =	vld [tilespmem:s17+$0x60];
	vm0 =	vlt.f32 v13, v9  }
0x113: {  	vm2 =	vlt.f32 v8, v9;
	v11 =	vmin.f32 v9, v8;
	vm1 =	vlt.f32 v12, v9  }
0x114: {  	v18 =	vld [tilespmem:s17+$0x40];
	vm4 =	vlt.f32 v16, v9;
	v14 =	vmin.f32 v9, v12;
	v24 =	vmin.f32 v9, v16  }
0x115: {  	s14 =	simm.s32 $0x0;
	v29 =	vld [tilespmem:s17+$0x10];
	v23 =	vmin.f32 v9, v17;
	v26 =	vmin.f32 v9, v19;
	vm5 =	vlt.f32 v21, v9  }
0x116: {  	v25 =	vld [tilespmem:s17+$0x20];
	v30 =	vmin.f32 v9, v21;
	v21 =	vimm.s32 $0x0;
	v22 =	vsel vm2, s14, v20  }
0x117: {  	v27 =	vld [tilespmem:s17+$0x30];
	vm2 =	vlt.f32 v10, v11;
	v16 =	vmin.f32 v24, v15;
	vm3 =	vlt.f32 v15, v24  }
0x118: {  	s15 =	simm.s32 $0x1;
	v8 =	vld [tilespmem:s17+$0x70];
	v28 =	vsel vm4, s14, v20;
	v31 =	vsel vm5, s14, v20;
	vm4 =	vlt.f32 v19, v9  }
0x119: {  	v19 =	vld [tilespmem:s17+$0xFFFFFF70];
	v24 =	vimm.s32 $0x0;
	v15 =	vimm.s32 $0x0;
	v12 =	vsel vm2, s15, v22  }
0x11a: {  	s16 =	simm.s32 $0x2;
	vm2 =	vlt.f32 v17, v9;
	v22 =	vmin.f32 v9, v13;
	v17 =	vld [tilespmem:s17+$0x50];
	s17 =	simm.s32 $0x380;
	v13 =	vimm.s32 $0x0  }
.LBB2_16:
0x11b: {  	v32 =	vld [tilespmem:s17+$0x70];
	p0 =	slt.u32 s16, $0xFE;
	v20 =	vsel vm1, s14, v20;
	vm1 =	vlt.f32 v29, v30;
	v30 =	vmin.f32 v30, v29;
	s18 =	smov.u32 s16;
	s16 =	sadd.s32 $0x2, s16  }
0x11c: {  	v34 =	vmin.f32 v22, v18;
	v33 =	vld [tilespmem:s17+$0xFFFFFF40];
	v31 =	vsel vm1, s15, v31;
	vm1 =	vlt.f32 v25, v26  }
0x11d: {  	v21 =	vsel vm4, s14, v21;
	v24 =	vsel vm2, s14, v24;
	v35 =	vmin.f32 v26, v25;
	v29 =	vld [tilespmem:s17+$0xFFFFFF50]  }
0x11e: {  	vm4 =	vlt.f32 v18, v22;
	v25 =	vld [tilespmem:s17+$0xFFFFFF60];
	vm2 =	vlt.f32 v27, v23;
	v23 =	vmin.f32 v23, v27  }
0x11f: {  	v15 =	vsel vm0, s14, v15;
	v21 =	vsel vm1, s15, v21;
	v27 =	vld [tilespmem:s17+$0x0];
	v18 =	vmin.f32 v9, v19  }
0x120: {  	v15 =	vsel vm4, s15, v15;
	vm0 =	vlt.f32 v17, v14;
	v14 =	vmin.f32 v14, v17;
	v22 =	vld [tilespmem:s17+$0x60]  }
0x121: {  	v28 =	vsel vm3, s15, v28;
	v20 =	vsel vm0, s15, v20;
	v24 =	vsel vm2, s15, v24;
	v17 =	vld [tilespmem:s17+$0xFFFFFF00]  }
0x122: {  	vm1 =	vlt.f32 v19, v9;
	vm2 =	vlt.f32 v8, v18;
	v9 =	vmin.f32 v18, v8;
	v8 =	vmovc v32;
	v26 =	vld [tilespmem:s17+$0xFFFFFF30]  }
0x123: {  	v36 =	vmin.f32 v11, v10;
	v13 =	vsel vm1, s14, v13;
	s14 =	smov.u32 s18;
	vm0 =	vlt.f32 v33, v34;
	v19 =	vld [tilespmem:s17+$0xFFFFFF20]  }
0x124: {  	v13 =	vsel vm2, s15, v13;
	vm3 =	vlt.f32 v25, v36;
	v11 =	vmin.f32 v36, v25;
	v32 =	vld [tilespmem:s17+$0xFFFFFF10]  }
0x125: {  	s15 =	sadd.s32 $0x1, s14;
	vm1 =	vlt.f32 v29, v14;
	v12 =	vsel vm3, s14, v12;
	v18 =	vld [tilespmem:s17+$0x40];
	vm2 =	vlt.f32 v22, v11;
	v10 =	vmovc v22  }
.Ltmp7:
0x126: {  	v14 =	vmin.f32 v14, v29;
	vm4 =	vlt.f32 v17, v16;
	v29 =	vld [tilespmem:s17+$0x10];
	v12 =	vsel vm2, s15, v12;
	(pc) =	sbr.rel @p0 .LBB2_16-.Ltmp7, $4  }
0x127: {  	v36 =	vmin.f32 v16, v17;
	vm2 =	vlt.f32 v26, v23;
	v23 =	vmin.f32 v23, v26;
	v25 =	vld [tilespmem:s17+$0x20]  }
0x128: {  	v22 =	vmin.f32 v34, v33;
	v16 =	vmin.f32 v36, v27;
	v26 =	vmin.f32 v35, v19;
	v17 =	vld [tilespmem:s17+$0x50]  }
0x129: {  	vm3 =	vlt.f32 v27, v36;
	vm5 =	vlt.f32 v32, v30;
	v30 =	vmin.f32 v30, v32;
	v27 =	vld [tilespmem:s17+$0x30]  }
0x12a: {  	v28 =	vsel vm4, s14, v28;
	vm4 =	vlt.f32 v19, v35;
	v31 =	vsel vm5, s14, v31;
	v19 =	vld [tilespmem:s17+$0xFFFFFF70];
	s17 =	sadd.s32 $0x200, s17  }
0x12b: {  	vm5 =	vlt.f32 v29, v30  }
0x12c: {  	v20 =	vsel vm1, s14, v20;
	v47 =	vmin.f32 v30, v29;
	v49 =	vmin.f32 v22, v18  }
0x12d: {  	v28 =	vsel vm3, s15, v28;
	v21 =	vsel vm4, s14, v21;
	v48 =	vsel vm5, s15, v31  }
0x12e: {  	v24 =	vsel vm2, s14, v24;
	v28 =	vshll.u32 v28, $0x7;
	v30 =	vshll.u32 v48, $0x7  }
0x12f: {  	vm7 =	vlt.f32 v18, v22;
	v28 =	vor.u32 v0, v28;
	v30 =	vor.u32 v1, v30  }
0x130: {  	vm9 =	vlt.f32 v25, v26;
	vm10 =	veq.f32 v47, v16;
	vm11 =	vlt.s32 v30, v28  }
0x131: {  	vm12 =	vlt.f32 v47, v16;
	v21 =	vsel vm9, s15, v21;
	vm2 =	vmand vm10, vm11  }
0x132: {  	v50 =	vmin.f32 v26, v25;
	v21 =	vshll.u32 v21, $0x7;
	vm1 =	vmor vm12, vm2  }
0x133: {  	v21 =	vor.u32 v2, v21;
	v51 =	vsel vm1, v47, v16;
	v52 =	vsel vm1, v30, v28  }
0x134: {  	vm13 =	vlt.f32 v27, v23;
	vm14 =	veq.f32 v50, v51;
	vm15 =	vlt.s32 v21, v52  }
0x135: {  	v24 =	vsel vm13, s15, v24;
	vm6 =	vlt.f32 v50, v51;
	vm1 =	vmand vm14, vm15  }
0x136: {  	v53 =	vmin.f32 v23, v27;
	v54 =	vshll.u32 v24, $0x7;
	vm1 =	vmor vm6, vm1  }
0x137: {  	v18 =	vor.u32 v3, v54;
	v16 =	vsel vm1, v50, v51;
	v21 =	vsel vm1, v21, v52  }
0x138: {  	v15 =	vsel vm0, s14, v15;
	vm8 =	veq.f32 v53, v16;
	vm1 =	vlt.s32 v18, v21  }
0x139: {  	v15 =	vsel vm7, s15, v15;
	vm9 =	vlt.f32 v53, v16;
	vm0 =	vmand vm8, vm1  }
0x13a: {  	v58 =	vmin.f32 v11, v10;
	v15 =	vshll.u32 v15, $0x7;
	vm0 =	vmor vm9, vm0  }
0x13b: {  	v15 =	vor.u32 v4, v15;
	v16 =	vsel vm0, v53, v16;
	v18 =	vsel vm0, v18, v21  }
0x13c: {  	vm10 =	vlt.f32 v17, v14;
	vm11 =	veq.f32 v49, v16;
	vm12 =	vlt.s32 v15, v18  }
0x13d: {  	v20 =	vsel vm10, s15, v20;
	vm13 =	vlt.f32 v49, v16;
	vm1 =	vmand vm11, vm12  }
0x13e: {  	v56 =	vmin.f32 v14, v17;
	v57 =	vshll.u32 v20, $0x7;
	vm0 =	vmor vm13, vm1  }
0x13f: {  	v17 =	vor.u32 v5, v57;
	v16 =	vsel vm0, v49, v16;
	v15 =	vsel vm0, v15, v18  }
0x140: {  	v59 =	vshll.u32 v12, $0x7;
	vm15 =	veq.f32 v56, v16;
	vm8 =	vlt.s32 v17, v15  }
0x141: {  	v10 =	vor.u32 v6, v59;
	vm10 =	vlt.f32 v56, v16;
	vm1 =	vmand vm15, vm8  }
0x142: {  	v55 =	vmin.f32 v9, v19;
	vm14 =	vlt.f32 v19, v9;
	vm1 =	vmor vm10, vm1  }
0x143: {  	v13 =	vsel vm14, s14, v13;
	v60 =	vsel vm1, v56, v16;
	v61 =	vsel vm1, v17, v15  }
0x144: {  	vm9 =	vlt.f32 v8, v55;
	vm11 =	veq.f32 v58, v60;
	vm1 =	vlt.s32 v10, v61  }
0x145: {  	v13 =	vsel vm9, s15, v13;
	vm12 =	vlt.f32 v58, v60;
	vm0 =	vmand vm11, vm1  }
0x146: {  	v8 =	vmin.f32 v55, v8;
	v13 =	vshll.u32 v13, $0x7;
	vm0 =	vmor vm12, vm0  }
0x147: {  	v62 =	vor.u32 v7, v13;
	v9 =	vsel vm0, v58, v60;
	v10 =	vsel vm0, v10, v61  }
0x148: {  	vm13 =	veq.f32 v8, v9;
	vm14 =	vlt.s32 v62, v10  }
0x149: {  	vm15 =	vlt.f32 v8, v9;
	vm0 =	vmand vm13, vm14  }
0x14a: {  	vm0 =	vmor vm15, vm0  }
0x14b: {  	v8 =	vsel vm0, v8, v9;
	v63 =	vsel vm0, v62, v10  }
0x14c: {  	(xrf1) =	vsort.ascd.msk.u32 $0xffff, v63, v8;
	_ =	sdelay $0xd  }
0x14d: {  	v8, v9, _ =	vpop (xrf1)  }
0x14e: {  	(xrf1) =	vsort.ascd.msk.f32 $0xffff, v9, v8;
	_ =	sdelay $0xc  }
0x14f: {  	s13 =	sadd.s32 $0x1, s13  }
0x150: {  	p0 =	sne.s32 s13, s8;
	_, v8, _ =	vpop (xrf1)  }
.Ltmp8:
0x151: {  	[tilespmem:$0x10180] =	vst v8;
	(pc) =	sbr.rel @p0 .LBB2_1-.Ltmp8, $4  }
0x152: {  	[hbm4b:s7+s2] =	stream.linear.scatter [tilespmem:s11], [sflag:$0x3], $0x200, $0x38;
	[tilespmem:$0x10200] =	vst v63  }
0x153: {  	_ =	swait.ge [sflag:s12], $0x200  }
0x154: {  	[sflag:s12] =	ssyncset.done $0x0  }
0x155: {  	[sflag:s12] =	ssyncadd.s32 $0xFFFFFE00  }
0x156: {  	_ =	sfence.sel $0x180000  }
0x157: {  	[bflag:$0x0] =	sbarrier.arrive $0xFFFF  }
0x158: {  	p0 =	sne.s32 s1, $0x0;
	_ =	strace $0x90000047  }
0x159: {  	s0 =	sadd.s32 @!p0 $0x100000, s0;
	[bflag:$0x2] =	sbarrier.arrive $0xFFFF  }
0x15a: {  	[sflag:s0] =	ssyncadd.tile.s32 @!p0 $0x1;
	_ =	shalt  }
.Lfunc_end2:
_tile_overlayer_lowered:
.L_overlay_start_2:
0x15b: {  	(tag) =	ssettag $0x2  }
0x15c: {  	s0 =	rddreg [dreg:$0x0];
	s2 =	stileid.u32  }
0x15d: {  	s1 =	rddreg [dreg:$0x1];
	p0 =	sne.s32 s2, $0x0  }
0x15e: {  	s3 =	rddreg [dreg:$0x2];
	[bflag:$0x3] =	sbarrier.arrive $0xFFFF;
	s2 =	simm.s32 @!p0 $0x1C03  }
0x15f: {  	[timem:s3], [sflag:s2] =	dma.local @!p0 [hbm:s0], s1  }
0x160: {  	s0 =	simm.s32 @!p0 $0x3  }
0x161: {  	_ =	swait.ge @!p0 [sflag:s0], s1  }
0x162: {  	s1 =	ssub.s32 @!p0 $0x0, s1;
	[sflag:s0] =	ssyncset.done @!p0 $0x0  }
0x163: {  	[sflag:s0] =	ssyncadd.s32 @!p0 s1  }
0x164: {  	[bflag:$0x3] =	sbarrier.arrive $0xFFFF  }
0x165: {  	_ =	shalt  }

</sc_bundles>
